<compile_context>
chip_gen: v7x
topology: tpu7x:2x2x1
jax: 0.10.2.dev20260603
libtpu: 0.0.44.dev20260713+nightly
codegen_flags: <defaults>
</compile_context>

<pallas_src>
import functools

import jax
import jax.numpy as jnp
from jax import lax
from jax.experimental import pallas as pl
from jax.experimental.pallas import tpu as pltpu
from jax.experimental.pallas import tpu_sc as plsc

_ENT_SIZE = 100000
_EMB_DIM = 128
_BATCH = 16384

_NC = 2
_NS = 16
_NW = _NC * _NS
_BPW = _BATCH // _NW
_C = 32
_NCHUNK = _BPW // _C
_NGRP = _C // 16
_NBUF = 4


def _sc_body(head_hbm, rel_hbm, tail_hbm,
             ent_emb, ent_covar, rel_emb, rel_covar,
             out_hbm,
             hidx, ridx, tidx,
             *scratch):
    wid = lax.axis_index("s") * _NC + lax.axis_index("c")
    base = wid * _BPW

    lanes = lax.iota(jnp.int32, 16)

    isem = scratch[-1]
    i1 = pltpu.async_copy(head_hbm.at[pl.ds(base, _BPW)], hidx, isem)
    i2 = pltpu.async_copy(rel_hbm.at[pl.ds(base, _BPW)], ridx, isem)
    i3 = pltpu.async_copy(tail_hbm.at[pl.ds(base, _BPW)], tidx, isem)
    i1.wait()
    i2.wait()
    i3.wait()

    bufsets = tuple(tuple(scratch[6 * s:6 * s + 6]) for s in range(_NBUF))
    out_v = scratch[6 * _NBUF]
    sems = scratch[6 * _NBUF + 1:6 * _NBUF + 1 + _NBUF]

    def fire(s, off):
        hi = hidx.at[pl.ds(off, _C)]
        ri = ridx.at[pl.ds(off, _C)]
        ti = tidx.at[pl.ds(off, _C)]
        srcs = (ent_emb.at[hi], ent_covar.at[hi],
                ent_emb.at[ti], ent_covar.at[ti],
                rel_emb.at[ri], rel_covar.at[ri])
        return [pltpu.async_copy(src, buf, sems[s])
                for src, buf in zip(srcs, bufsets[s])]

    rot = lanes * 9
    zero = jnp.zeros((16,), jnp.float32)

    def compute(s, off):
        hm, hv, tm, tv, rm, rv = bufsets[s]

        def body(j, accs):
            col = (j + rot) & (_EMB_DIM - 1)
            new = []
            for g in range(_NGRP):
                rows = lanes + g * 16
                a = plsc.load_gather(hm, [rows, col])
                b = plsc.load_gather(hv, [rows, col])
                cm = plsc.load_gather(tm, [rows, col])
                cv = plsc.load_gather(tv, [rows, col])
                dm = plsc.load_gather(rm, [rows, col])
                dv = plsc.load_gather(rv, [rows, col])
                ev = cv + b
                d_ = dm - (cm - a)
                d2 = d_ * d_
                num = (ev + d2) * ev + (dv + d2) * dv
                new.append(accs[g] + num / (dv * ev))
            return tuple(new)

        accs = lax.fori_loop(0, _EMB_DIM, body, (zero,) * _NGRP)
        for g in range(_NGRP):
            out_v[pl.ds(off + g * 16, 16)] = (accs[g] - 2.0 * _EMB_DIM) * 0.25

    waiters = [
        [pltpu.make_async_copy(ent_emb.at[hidx.at[pl.ds(0, _C)]], buf, sems[s])
         for buf in bufsets[s]]
        for s in range(_NBUF)
    ]
    for s in range(_NBUF - 1):
        fire(s, s * _C)

    def ring(k, _):
        cbase = k * _NBUF
        for s in range(_NBUF):
            c = cbase + s
            off = c * _C

            @pl.when(c + _NBUF - 1 < _NCHUNK)
            def _():
                fire((s + _NBUF - 1) % _NBUF, off + (_NBUF - 1) * _C)

            for d in waiters[s]:
                d.wait()
            compute(s, off)
        return 0

    lax.fori_loop(0, _NCHUNK // _NBUF, ring, 0)

    pltpu.sync_copy(out_v, out_hbm.at[pl.ds(base, _BPW)])


_sc_kernel = functools.partial(
    pl.kernel,
    out_type=jax.ShapeDtypeStruct((_BATCH,), jnp.float32),
    mesh=plsc.VectorSubcoreMesh(core_axis_name="c", subcore_axis_name="s"),
    scratch_types=[
        pltpu.VMEM((_BPW,), jnp.int32),
        pltpu.VMEM((_BPW,), jnp.int32),
        pltpu.VMEM((_BPW,), jnp.int32),
    ] + [pltpu.VMEM((_C, _EMB_DIM), jnp.float32)] * (6 * _NBUF) + [
        pltpu.VMEM((_BPW,), jnp.float32),
    ] + [pltpu.SemaphoreType.DMA] * (_NBUF + 1),
    compiler_params=pltpu.CompilerParams(
        use_tc_tiling_on_sc=False, needs_layout_passes=False,
        skip_device_barrier=True,
        disable_bounds_checks=True, disable_semaphore_checks=True),
)(_sc_body)


def kernel(in_triple, ent_emb, ent_covar, rel_emb, rel_covar):
    head = in_triple[:, 0]
    rel = in_triple[:, 1]
    tail = in_triple[:, 2]
    return _sc_kernel(head, rel, tail, ent_emb, ent_covar, rel_emb, rel_covar)

# --- scband reference (transcript-rebuilt; emitter-appended) ---
"""Pipeline reference for scband-kg2-e-7653631721900 (READ-ONLY COPY).

The authoritative reference and input builder live on the scoring server;
editing this copy changes nothing except your own understanding.
"""

import jax, jax.numpy as jnp
import numpy as np

ENT_SIZE = 100000
REL_SIZE = 100000
EMB_DIM = 128
BATCH = 16384
VMIN = 0.03
VMAX = 3.0


def setup_inputs(seed: int = 0) -> dict:
    key = jax.random.key(seed)
    k1, k2, k3, k4, k5 = jax.random.split(key, 5)
    in_triple = jax.random.randint(k1, (BATCH, 3), 0, ENT_SIZE)
    ent_emb = jax.random.normal(k2, (ENT_SIZE, EMB_DIM), dtype=jnp.float32)
    # covariances are kept positive (the original model clamps them to [vmin, vmax])
    ent_covar = jax.random.uniform(k3, (ENT_SIZE, EMB_DIM), minval=VMIN, maxval=VMAX, dtype=jnp.float32)
    rel_emb = jax.random.normal(k4, (REL_SIZE, EMB_DIM), dtype=jnp.float32)
    rel_covar = jax.random.uniform(k5, (REL_SIZE, EMB_DIM), minval=VMIN, maxval=VMAX, dtype=jnp.float32)
    return {
        "in_triple": in_triple,
        "ent_emb": ent_emb,
        "ent_covar": ent_covar,
        "rel_emb": rel_emb,
        "rel_covar": rel_covar,
    }


def reference(in_triple, ent_emb, ent_covar, rel_emb, rel_covar):
    head = in_triple[:, 0]
    relation = in_triple[:, 1]
    tail = in_triple[:, 2]

    headm = jnp.take(ent_emb, head, axis=0)
    headv = jnp.take(ent_covar, head, axis=0)
    tailm = jnp.take(ent_emb, tail, axis=0)
    tailv = jnp.take(ent_covar, tail, axis=0)
    relationm = jnp.take(rel_emb, relation, axis=0)
    relationv = jnp.take(rel_covar, relation, axis=0)

    errorm = tailm - headm
    errorv = tailv + headv

    # KL score (sim='KL')
    losep1 = jnp.sum(errorv / relationv, axis=1)
    losep2 = jnp.sum((relationm - errorm) ** 2 / relationv, axis=1)
    KLer = (losep1 + losep2 - EMB_DIM) / 2

    losep1b = jnp.sum(relationv / errorv, axis=1)
    losep2b = jnp.sum((errorm - relationm) ** 2 / errorv, axis=1)
    KLre = (losep1b + losep2b - EMB_DIM) / 2

    return (KLer + KLre) / 2

if __name__ == "__main__":
    import jax
    _d = setup_inputs()
    print(jax.jit(kernel)(*tuple(_d.values())))

</pallas_src>

<mosaic_0001>
#map = affine_map<(d0, d1) -> (0)>
#map1 = affine_map<(d0, d1) -> (0, 0)>
module attributes {stable_mosaic.version = 14 : i64} {
  func.func @_sc_body(%arg0: i32, %arg1: i32, %arg2: memref<16384xi32, #tpu.memory_space<hbm>>, %arg3: memref<16384xi32, #tpu.memory_space<hbm>>, %arg4: memref<16384xi32, #tpu.memory_space<hbm>>, %arg5: memref<100000x128xf32, #tpu.memory_space<hbm>>, %arg6: memref<100000x128xf32, #tpu.memory_space<hbm>>, %arg7: memref<100000x128xf32, #tpu.memory_space<hbm>>, %arg8: memref<100000x128xf32, #tpu.memory_space<hbm>>, %arg9: memref<16384xf32, #tpu.memory_space<hbm>>, %arg10: memref<512xi32, #tpu.memory_space<vmem>>, %arg11: memref<512xi32, #tpu.memory_space<vmem>>, %arg12: memref<512xi32, #tpu.memory_space<vmem>>, %arg13: memref<32x128xf32, #tpu.memory_space<vmem>>, %arg14: memref<32x128xf32, #tpu.memory_space<vmem>>, %arg15: memref<32x128xf32, #tpu.memory_space<vmem>>, %arg16: memref<32x128xf32, #tpu.memory_space<vmem>>, %arg17: memref<32x128xf32, #tpu.memory_space<vmem>>, %arg18: memref<32x128xf32, #tpu.memory_space<vmem>>, %arg19: memref<32x128xf32, #tpu.memory_space<vmem>>, %arg20: memref<32x128xf32, #tpu.memory_space<vmem>>, %arg21: memref<32x128xf32, #tpu.memory_space<vmem>>, %arg22: memref<32x128xf32, #tpu.memory_space<vmem>>, %arg23: memref<32x128xf32, #tpu.memory_space<vmem>>, %arg24: memref<32x128xf32, #tpu.memory_space<vmem>>, %arg25: memref<32x128xf32, #tpu.memory_space<vmem>>, %arg26: memref<32x128xf32, #tpu.memory_space<vmem>>, %arg27: memref<32x128xf32, #tpu.memory_space<vmem>>, %arg28: memref<32x128xf32, #tpu.memory_space<vmem>>, %arg29: memref<32x128xf32, #tpu.memory_space<vmem>>, %arg30: memref<32x128xf32, #tpu.memory_space<vmem>>, %arg31: memref<32x128xf32, #tpu.memory_space<vmem>>, %arg32: memref<32x128xf32, #tpu.memory_space<vmem>>, %arg33: memref<32x128xf32, #tpu.memory_space<vmem>>, %arg34: memref<32x128xf32, #tpu.memory_space<vmem>>, %arg35: memref<32x128xf32, #tpu.memory_space<vmem>>, %arg36: memref<32x128xf32, #tpu.memory_space<vmem>>, %arg37: memref<512xf32, #tpu.memory_space<vmem>>, %arg38: memref<!tpu.dma_semaphore, #tpu.memory_space<semaphore_mem>>, %arg39: memref<!tpu.dma_semaphore, #tpu.memory_space<semaphore_mem>>, %arg40: memref<!tpu.dma_semaphore, #tpu.memory_space<semaphore_mem>>, %arg41: memref<!tpu.dma_semaphore, #tpu.memory_space<semaphore_mem>>, %arg42: memref<!tpu.dma_semaphore, #tpu.memory_space<semaphore_mem>>) attributes {dimension_semantics = [#tpu.dimension_semantics<core_parallel>, #tpu.dimension_semantics<subcore_parallel>], iteration_bounds = array<i64: 2, 16>, scalar_prefetch = 0 : i64, scratch_operands = 33 : i64, tpu.core_type = #tpu.core_type<sc_vector_subcore>, window_params = [{transform_indices = #map}, {transform_indices = #map}, {transform_indices = #map}, {transform_indices = #map1}, {transform_indices = #map1}, {transform_indices = #map1}, {transform_indices = #map1}, {transform_indices = #map}]} {
    %mul3A = arith.constant 2 : i32
    %mul3A_0 = arith.muli %arg1, %mul3A : i32
    %add3A = arith.addi %mul3A_0, %arg0 : i32
    %mul3A_1 = arith.constant 512 : i32
    %mul3A_2 = arith.muli %add3A, %mul3A_1 : i32
    %iota3A = tpu.iota {dimensions = array<i32: 0>} : vector<16xi32>
    %dma_start3A = tpu.memref_slice %arg2[%mul3A_2] : memref<16384xi32, #tpu.memory_space<hbm>> -> memref<512xi32, #tpu.memory_space<hbm>>
    %dma_start3A_3 = tpu.memref_slice %arg2[%mul3A_2] : memref<16384xi32, #tpu.memory_space<hbm>> -> memref<512xi32, #tpu.memory_space<hbm>>
    tpu.enqueue_dma source(%dma_start3A_3 : memref<512xi32, #tpu.memory_space<hbm>>) target(%arg10 : memref<512xi32, #tpu.memory_space<vmem>>) target_semaphore(%arg42 : memref<!tpu.dma_semaphore, #tpu.memory_space<semaphore_mem>>)
    %dma_start3A_4 = tpu.memref_slice %arg3[%mul3A_2] : memref<16384xi32, #tpu.memory_space<hbm>> -> memref<512xi32, #tpu.memory_space<hbm>>
    %dma_start3A_5 = tpu.memref_slice %arg3[%mul3A_2] : memref<16384xi32, #tpu.memory_space<hbm>> -> memref<512xi32, #tpu.memory_space<hbm>>
    tpu.enqueue_dma source(%dma_start3A_5 : memref<512xi32, #tpu.memory_space<hbm>>) target(%arg11 : memref<512xi32, #tpu.memory_space<vmem>>) target_semaphore(%arg42 : memref<!tpu.dma_semaphore, #tpu.memory_space<semaphore_mem>>)
    %dma_start3A_6 = tpu.memref_slice %arg4[%mul3A_2] : memref<16384xi32, #tpu.memory_space<hbm>> -> memref<512xi32, #tpu.memory_space<hbm>>
    %dma_start3A_7 = tpu.memref_slice %arg4[%mul3A_2] : memref<16384xi32, #tpu.memory_space<hbm>> -> memref<512xi32, #tpu.memory_space<hbm>>
    tpu.enqueue_dma source(%dma_start3A_7 : memref<512xi32, #tpu.memory_space<hbm>>) target(%arg12 : memref<512xi32, #tpu.memory_space<vmem>>) target_semaphore(%arg42 : memref<!tpu.dma_semaphore, #tpu.memory_space<semaphore_mem>>)
    %dma_wait3A = tpu.memref_slice %arg2[%mul3A_2] : memref<16384xi32, #tpu.memory_space<hbm>> -> memref<512xi32, #tpu.memory_space<hbm>>
    %dma_wait3A_8 = tpu.memref_slice %arg2[%mul3A_2] : memref<16384xi32, #tpu.memory_space<hbm>> -> memref<512xi32, #tpu.memory_space<hbm>>
    tpu.wait_dma2 semaphore(%arg42 : memref<!tpu.dma_semaphore, #tpu.memory_space<semaphore_mem>>) src(%dma_wait3A_8 : memref<512xi32, #tpu.memory_space<hbm>>) dst(%arg10 : memref<512xi32, #tpu.memory_space<vmem>>)
    %dma_wait3A_9 = tpu.memref_slice %arg3[%mul3A_2] : memref<16384xi32, #tpu.memory_space<hbm>> -> memref<512xi32, #tpu.memory_space<hbm>>
    %dma_wait3A_10 = tpu.memref_slice %arg3[%mul3A_2] : memref<16384xi32, #tpu.memory_space<hbm>> -> memref<512xi32, #tpu.memory_space<hbm>>
    tpu.wait_dma2 semaphore(%arg42 : memref<!tpu.dma_semaphore, #tpu.memory_space<semaphore_mem>>) src(%dma_wait3A_10 : memref<512xi32, #tpu.memory_space<hbm>>) dst(%arg11 : memref<512xi32, #tpu.memory_space<vmem>>)
    %dma_wait3A_11 = tpu.memref_slice %arg4[%mul3A_2] : memref<16384xi32, #tpu.memory_space<hbm>> -> memref<512xi32, #tpu.memory_space<hbm>>
    %dma_wait3A_12 = tpu.memref_slice %arg4[%mul3A_2] : memref<16384xi32, #tpu.memory_space<hbm>> -> memref<512xi32, #tpu.memory_space<hbm>>
    tpu.wait_dma2 semaphore(%arg42 : memref<!tpu.dma_semaphore, #tpu.memory_space<semaphore_mem>>) src(%dma_wait3A_12 : memref<512xi32, #tpu.memory_space<hbm>>) dst(%arg12 : memref<512xi32, #tpu.memory_space<vmem>>)
    %mul3A_13 = arith.constant 9 : i32
    %mul3A_14 = vector.broadcast %mul3A_13 : i32 to vector<16xi32>
    %mul3A_15 = arith.muli %iota3A, %mul3A_14 : vector<16xi32>
    %broadcast_in_dim3A = arith.constant 0.000000e+00 : f32
    %broadcast_in_dim3A_16 = vector.broadcast %broadcast_in_dim3A : f32 to vector<16xf32>
    %dma_start3A_17 = arith.constant 0 : i32
    %dma_start3A_18 = tpu.memref_slice %arg10[%dma_start3A_17] : memref<512xi32, #tpu.memory_space<vmem>> -> memref<32xi32, #tpu.memory_space<vmem>>
    %dma_start3A_19 = arith.constant 0 : i32
    %dma_start3A_20 = arith.constant 0 : i32
    %dma_start3A_21 = tpu.memref_slice %arg5[%dma_start3A_19, %dma_start3A_20] : memref<100000x128xf32, #tpu.memory_space<hbm>> -> memref<100000x128xf32, #tpu.memory_space<hbm>>
    tpu.enqueue_indirect_dma source(%dma_start3A_21 : memref<100000x128xf32, #tpu.memory_space<hbm>>) target(%arg13 : memref<32x128xf32, #tpu.memory_space<vmem>>) offsets(%dma_start3A_18 : memref<32xi32, #tpu.memory_space<vmem>>) semaphore(%arg38 : memref<!tpu.dma_semaphore, #tpu.memory_space<semaphore_mem>>)
    %dma_start3A_22 = arith.constant 0 : i32
    %dma_start3A_23 = tpu.memref_slice %arg10[%dma_start3A_22] : memref<512xi32, #tpu.memory_space<vmem>> -> memref<32xi32, #tpu.memory_space<vmem>>
    %dma_start3A_24 = arith.constant 0 : i32
    %dma_start3A_25 = arith.constant 0 : i32
    %dma_start3A_26 = tpu.memref_slice %arg6[%dma_start3A_24, %dma_start3A_25] : memref<100000x128xf32, #tpu.memory_space<hbm>> -> memref<100000x128xf32, #tpu.memory_space<hbm>>
    tpu.enqueue_indirect_dma source(%dma_start3A_26 : memref<100000x128xf32, #tpu.memory_space<hbm>>) target(%arg14 : memref<32x128xf32, #tpu.memory_space<vmem>>) offsets(%dma_start3A_23 : memref<32xi32, #tpu.memory_space<vmem>>) semaphore(%arg38 : memref<!tpu.dma_semaphore, #tpu.memory_space<semaphore_mem>>)
    %dma_start3A_27 = arith.constant 0 : i32
    %dma_start3A_28 = tpu.memref_slice %arg12[%dma_start3A_27] : memref<512xi32, #tpu.memory_space<vmem>> -> memref<32xi32, #tpu.memory_space<vmem>>
    %dma_start3A_29 = arith.constant 0 : i32
    %dma_start3A_30 = arith.constant 0 : i32
    %dma_start3A_31 = tpu.memref_slice %arg5[%dma_start3A_29, %dma_start3A_30] : memref<100000x128xf32, #tpu.memory_space<hbm>> -> memref<100000x128xf32, #tpu.memory_space<hbm>>
    tpu.enqueue_indirect_dma source(%dma_start3A_31 : memref<100000x128xf32, #tpu.memory_space<hbm>>) target(%arg15 : memref<32x128xf32, #tpu.memory_space<vmem>>) offsets(%dma_start3A_28 : memref<32xi32, #tpu.memory_space<vmem>>) semaphore(%arg38 : memref<!tpu.dma_semaphore, #tpu.memory_space<semaphore_mem>>)
    %dma_start3A_32 = arith.constant 0 : i32
    %dma_start3A_33 = tpu.memref_slice %arg12[%dma_start3A_32] : memref<512xi32, #tpu.memory_space<vmem>> -> memref<32xi32, #tpu.memory_space<vmem>>
    %dma_start3A_34 = arith.constant 0 : i32
    %dma_start3A_35 = arith.constant 0 : i32
    %dma_start3A_36 = tpu.memref_slice %arg6[%dma_start3A_34, %dma_start3A_35] : memref<100000x128xf32, #tpu.memory_space<hbm>> -> memref<100000x128xf32, #tpu.memory_space<hbm>>
    tpu.enqueue_indirect_dma source(%dma_start3A_36 : memref<100000x128xf32, #tpu.memory_space<hbm>>) target(%arg16 : memref<32x128xf32, #tpu.memory_space<vmem>>) offsets(%dma_start3A_33 : memref<32xi32, #tpu.memory_space<vmem>>) semaphore(%arg38 : memref<!tpu.dma_semaphore, #tpu.memory_space<semaphore_mem>>)
    %dma_start3A_37 = arith.constant 0 : i32
    %dma_start3A_38 = tpu.memref_slice %arg11[%dma_start3A_37] : memref<512xi32, #tpu.memory_space<vmem>> -> memref<32xi32, #tpu.memory_space<vmem>>
    %dma_start3A_39 = arith.constant 0 : i32
    %dma_start3A_40 = arith.constant 0 : i32
    %dma_start3A_41 = tpu.memref_slice %arg7[%dma_start3A_39, %dma_start3A_40] : memref<100000x128xf32, #tpu.memory_space<hbm>> -> memref<100000x128xf32, #tpu.memory_space<hbm>>
    tpu.enqueue_indirect_dma source(%dma_start3A_41 : memref<100000x128xf32, #tpu.memory_space<hbm>>) target(%arg17 : memref<32x128xf32, #tpu.memory_space<vmem>>) offsets(%dma_start3A_38 : memref<32xi32, #tpu.memory_space<vmem>>) semaphore(%arg38 : memref<!tpu.dma_semaphore, #tpu.memory_space<semaphore_mem>>)
    %dma_start3A_42 = arith.constant 0 : i32
    %dma_start3A_43 = tpu.memref_slice %arg11[%dma_start3A_42] : memref<512xi32, #tpu.memory_space<vmem>> -> memref<32xi32, #tpu.memory_space<vmem>>
    %dma_start3A_44 = arith.constant 0 : i32
    %dma_start3A_45 = arith.constant 0 : i32
    %dma_start3A_46 = tpu.memref_slice %arg8[%dma_start3A_44, %dma_start3A_45] : memref<100000x128xf32, #tpu.memory_space<hbm>> -> memref<100000x128xf32, #tpu.memory_space<hbm>>
    tpu.enqueue_indirect_dma source(%dma_start3A_46 : memref<100000x128xf32, #tpu.memory_space<hbm>>) target(%arg18 : memref<32x128xf32, #tpu.memory_space<vmem>>) offsets(%dma_start3A_43 : memref<32xi32, #tpu.memory_space<vmem>>) semaphore(%arg38 : memref<!tpu.dma_semaphore, #tpu.memory_space<semaphore_mem>>)
    %dma_start3A_47 = arith.constant 32 : i32
    %dma_start3A_48 = tpu.memref_slice %arg10[%dma_start3A_47] : memref<512xi32, #tpu.memory_space<vmem>> -> memref<32xi32, #tpu.memory_space<vmem>>
    %dma_start3A_49 = arith.constant 0 : i32
    %dma_start3A_50 = arith.constant 0 : i32
    %dma_start3A_51 = tpu.memref_slice %arg5[%dma_start3A_49, %dma_start3A_50] : memref<100000x128xf32, #tpu.memory_space<hbm>> -> memref<100000x128xf32, #tpu.memory_space<hbm>>
    tpu.enqueue_indirect_dma source(%dma_start3A_51 : memref<100000x128xf32, #tpu.memory_space<hbm>>) target(%arg19 : memref<32x128xf32, #tpu.memory_space<vmem>>) offsets(%dma_start3A_48 : memref<32xi32, #tpu.memory_space<vmem>>) semaphore(%arg39 : memref<!tpu.dma_semaphore, #tpu.memory_space<semaphore_mem>>)
    %dma_start3A_52 = arith.constant 32 : i32
    %dma_start3A_53 = tpu.memref_slice %arg10[%dma_start3A_52] : memref<512xi32, #tpu.memory_space<vmem>> -> memref<32xi32, #tpu.memory_space<vmem>>
    %dma_start3A_54 = arith.constant 0 : i32
    %dma_start3A_55 = arith.constant 0 : i32
    %dma_start3A_56 = tpu.memref_slice %arg6[%dma_start3A_54, %dma_start3A_55] : memref<100000x128xf32, #tpu.memory_space<hbm>> -> memref<100000x128xf32, #tpu.memory_space<hbm>>
    tpu.enqueue_indirect_dma source(%dma_start3A_56 : memref<100000x128xf32, #tpu.memory_space<hbm>>) target(%arg20 : memref<32x128xf32, #tpu.memory_space<vmem>>) offsets(%dma_start3A_53 : memref<32xi32, #tpu.memory_space<vmem>>) semaphore(%arg39 : memref<!tpu.dma_semaphore, #tpu.memory_space<semaphore_mem>>)
    %dma_start3A_57 = arith.constant 32 : i32
    %dma_start3A_58 = tpu.memref_slice %arg12[%dma_start3A_57] : memref<512xi32, #tpu.memory_space<vmem>> -> memref<32xi32, #tpu.memory_space<vmem>>
    %dma_start3A_59 = arith.constant 0 : i32
    %dma_start3A_60 = arith.constant 0 : i32
    %dma_start3A_61 = tpu.memref_slice %arg5[%dma_start3A_59, %dma_start3A_60] : memref<100000x128xf32, #tpu.memory_space<hbm>> -> memref<100000x128xf32, #tpu.memory_space<hbm>>
    tpu.enqueue_indirect_dma source(%dma_start3A_61 : memref<100000x128xf32, #tpu.memory_space<hbm>>) target(%arg21 : memref<32x128xf32, #tpu.memory_space<vmem>>) offsets(%dma_start3A_58 : memref<32xi32, #tpu.memory_space<vmem>>) semaphore(%arg39 : memref<!tpu.dma_semaphore, #tpu.memory_space<semaphore_mem>>)
    %dma_start3A_62 = arith.constant 32 : i32
    %dma_start3A_63 = tpu.memref_slice %arg12[%dma_start3A_62] : memref<512xi32, #tpu.memory_space<vmem>> -> memref<32xi32, #tpu.memory_space<vmem>>
    %dma_start3A_64 = arith.constant 0 : i32
    %dma_start3A_65 = arith.constant 0 : i32
    %dma_start3A_66 = tpu.memref_slice %arg6[%dma_start3A_64, %dma_start3A_65] : memref<100000x128xf32, #tpu.memory_space<hbm>> -> memref<100000x128xf32, #tpu.memory_space<hbm>>
    tpu.enqueue_indirect_dma source(%dma_start3A_66 : memref<100000x128xf32, #tpu.memory_space<hbm>>) target(%arg22 : memref<32x128xf32, #tpu.memory_space<vmem>>) offsets(%dma_start3A_63 : memref<32xi32, #tpu.memory_space<vmem>>) semaphore(%arg39 : memref<!tpu.dma_semaphore, #tpu.memory_space<semaphore_mem>>)
    %dma_start3A_67 = arith.constant 32 : i32
    %dma_start3A_68 = tpu.memref_slice %arg11[%dma_start3A_67] : memref<512xi32, #tpu.memory_space<vmem>> -> memref<32xi32, #tpu.memory_space<vmem>>
    %dma_start3A_69 = arith.constant 0 : i32
    %dma_start3A_70 = arith.constant 0 : i32
    %dma_start3A_71 = tpu.memref_slice %arg7[%dma_start3A_69, %dma_start3A_70] : memref<100000x128xf32, #tpu.memory_space<hbm>> -> memref<100000x128xf32, #tpu.memory_space<hbm>>
    tpu.enqueue_indirect_dma source(%dma_start3A_71 : memref<100000x128xf32, #tpu.memory_space<hbm>>) target(%arg23 : memref<32x128xf32, #tpu.memory_space<vmem>>) offsets(%dma_start3A_68 : memref<32xi32, #tpu.memory_space<vmem>>) semaphore(%arg39 : memref<!tpu.dma_semaphore, #tpu.memory_space<semaphore_mem>>)
    %dma_start3A_72 = arith.constant 32 : i32
    %dma_start3A_73 = tpu.memref_slice %arg11[%dma_start3A_72] : memref<512xi32, #tpu.memory_space<vmem>> -> memref<32xi32, #tpu.memory_space<vmem>>
    %dma_start3A_74 = arith.constant 0 : i32
    %dma_start3A_75 = arith.constant 0 : i32
    %dma_start3A_76 = tpu.memref_slice %arg8[%dma_start3A_74, %dma_start3A_75] : memref<100000x128xf32, #tpu.memory_space<hbm>> -> memref<100000x128xf32, #tpu.memory_space<hbm>>
    tpu.enqueue_indirect_dma source(%dma_start3A_76 : memref<100000x128xf32, #tpu.memory_space<hbm>>) target(%arg24 : memref<32x128xf32, #tpu.memory_space<vmem>>) offsets(%dma_start3A_73 : memref<32xi32, #tpu.memory_space<vmem>>) semaphore(%arg39 : memref<!tpu.dma_semaphore, #tpu.memory_space<semaphore_mem>>)
    %dma_start3A_77 = arith.constant 64 : i32
    %dma_start3A_78 = tpu.memref_slice %arg10[%dma_start3A_77] : memref<512xi32, #tpu.memory_space<vmem>> -> memref<32xi32, #tpu.memory_space<vmem>>
    %dma_start3A_79 = arith.constant 0 : i32
    %dma_start3A_80 = arith.constant 0 : i32
    %dma_start3A_81 = tpu.memref_slice %arg5[%dma_start3A_79, %dma_start3A_80] : memref<100000x128xf32, #tpu.memory_space<hbm>> -> memref<100000x128xf32, #tpu.memory_space<hbm>>
    tpu.enqueue_indirect_dma source(%dma_start3A_81 : memref<100000x128xf32, #tpu.memory_space<hbm>>) target(%arg25 : memref<32x128xf32, #tpu.memory_space<vmem>>) offsets(%dma_start3A_78 : memref<32xi32, #tpu.memory_space<vmem>>) semaphore(%arg40 : memref<!tpu.dma_semaphore, #tpu.memory_space<semaphore_mem>>)
    %dma_start3A_82 = arith.constant 64 : i32
    %dma_start3A_83 = tpu.memref_slice %arg10[%dma_start3A_82] : memref<512xi32, #tpu.memory_space<vmem>> -> memref<32xi32, #tpu.memory_space<vmem>>
    %dma_start3A_84 = arith.constant 0 : i32
    %dma_start3A_85 = arith.constant 0 : i32
    %dma_start3A_86 = tpu.memref_slice %arg6[%dma_start3A_84, %dma_start3A_85] : memref<100000x128xf32, #tpu.memory_space<hbm>> -> memref<100000x128xf32, #tpu.memory_space<hbm>>
    tpu.enqueue_indirect_dma source(%dma_start3A_86 : memref<100000x128xf32, #tpu.memory_space<hbm>>) target(%arg26 : memref<32x128xf32, #tpu.memory_space<vmem>>) offsets(%dma_start3A_83 : memref<32xi32, #tpu.memory_space<vmem>>) semaphore(%arg40 : memref<!tpu.dma_semaphore, #tpu.memory_space<semaphore_mem>>)
    %dma_start3A_87 = arith.constant 64 : i32
    %dma_start3A_88 = tpu.memref_slice %arg12[%dma_start3A_87] : memref<512xi32, #tpu.memory_space<vmem>> -> memref<32xi32, #tpu.memory_space<vmem>>
    %dma_start3A_89 = arith.constant 0 : i32
    %dma_start3A_90 = arith.constant 0 : i32
    %dma_start3A_91 = tpu.memref_slice %arg5[%dma_start3A_89, %dma_start3A_90] : memref<100000x128xf32, #tpu.memory_space<hbm>> -> memref<100000x128xf32, #tpu.memory_space<hbm>>
    tpu.enqueue_indirect_dma source(%dma_start3A_91 : memref<100000x128xf32, #tpu.memory_space<hbm>>) target(%arg27 : memref<32x128xf32, #tpu.memory_space<vmem>>) offsets(%dma_start3A_88 : memref<32xi32, #tpu.memory_space<vmem>>) semaphore(%arg40 : memref<!tpu.dma_semaphore, #tpu.memory_space<semaphore_mem>>)
    %dma_start3A_92 = arith.constant 64 : i32
    %dma_start3A_93 = tpu.memref_slice %arg12[%dma_start3A_92] : memref<512xi32, #tpu.memory_space<vmem>> -> memref<32xi32, #tpu.memory_space<vmem>>
    %dma_start3A_94 = arith.constant 0 : i32
    %dma_start3A_95 = arith.constant 0 : i32
    %dma_start3A_96 = tpu.memref_slice %arg6[%dma_start3A_94, %dma_start3A_95] : memref<100000x128xf32, #tpu.memory_space<hbm>> -> memref<100000x128xf32, #tpu.memory_space<hbm>>
    tpu.enqueue_indirect_dma source(%dma_start3A_96 : memref<100000x128xf32, #tpu.memory_space<hbm>>) target(%arg28 : memref<32x128xf32, #tpu.memory_space<vmem>>) offsets(%dma_start3A_93 : memref<32xi32, #tpu.memory_space<vmem>>) semaphore(%arg40 : memref<!tpu.dma_semaphore, #tpu.memory_space<semaphore_mem>>)
    %dma_start3A_97 = arith.constant 64 : i32
    %dma_start3A_98 = tpu.memref_slice %arg11[%dma_start3A_97] : memref<512xi32, #tpu.memory_space<vmem>> -> memref<32xi32, #tpu.memory_space<vmem>>
    %dma_start3A_99 = arith.constant 0 : i32
    %dma_start3A_100 = arith.constant 0 : i32
    %dma_start3A_101 = tpu.memref_slice %arg7[%dma_start3A_99, %dma_start3A_100] : memref<100000x128xf32, #tpu.memory_space<hbm>> -> memref<100000x128xf32, #tpu.memory_space<hbm>>
    tpu.enqueue_indirect_dma source(%dma_start3A_101 : memref<100000x128xf32, #tpu.memory_space<hbm>>) target(%arg29 : memref<32x128xf32, #tpu.memory_space<vmem>>) offsets(%dma_start3A_98 : memref<32xi32, #tpu.memory_space<vmem>>) semaphore(%arg40 : memref<!tpu.dma_semaphore, #tpu.memory_space<semaphore_mem>>)
    %dma_start3A_102 = arith.constant 64 : i32
    %dma_start3A_103 = tpu.memref_slice %arg11[%dma_start3A_102] : memref<512xi32, #tpu.memory_space<vmem>> -> memref<32xi32, #tpu.memory_space<vmem>>
    %dma_start3A_104 = arith.constant 0 : i32
    %dma_start3A_105 = arith.constant 0 : i32
    %dma_start3A_106 = tpu.memref_slice %arg8[%dma_start3A_104, %dma_start3A_105] : memref<100000x128xf32, #tpu.memory_space<hbm>> -> memref<100000x128xf32, #tpu.memory_space<hbm>>
    tpu.enqueue_indirect_dma source(%dma_start3A_106 : memref<100000x128xf32, #tpu.memory_space<hbm>>) target(%arg30 : memref<32x128xf32, #tpu.memory_space<vmem>>) offsets(%dma_start3A_103 : memref<32xi32, #tpu.memory_space<vmem>>) semaphore(%arg40 : memref<!tpu.dma_semaphore, #tpu.memory_space<semaphore_mem>>)
    %scan3A = arith.constant 0 : i32
    %scan3A_107 = arith.constant 0 : i32
    %scan3A_108 = arith.constant 4 : i32
    %scan3A_109 = arith.addi %scan3A_107, %scan3A_108 : i32
    %scan3A_110 = arith.constant 1 : i32
    %scan3A_111 = scf.for %scan3A_113 = %scan3A_107 to %scan3A_109 step %scan3A_110 iter_args(%scan3A_114 = %scan3A) -> (i32)  : i32 {
      %mul3A_115 = arith.constant 4 : i32
      %mul3A_116 = arith.muli %scan3A_113, %mul3A_115 : i32
      %add3A_117 = arith.constant 0 : i32
      %add3A_118 = arith.addi %mul3A_116, %add3A_117 : i32
      %mul3A_119 = arith.constant 32 : i32
      %mul3A_120 = arith.muli %add3A_118, %mul3A_119 : i32
      %add3A_121 = arith.constant 4 : i32
      %add3A_122 = arith.addi %add3A_118, %add3A_121 : i32
      %sub3A = arith.constant 1 : i32
      %sub3A_123 = arith.subi %add3A_122, %sub3A : i32
      %lt3A = arith.constant 16 : i32
      %lt3A_124 = arith.cmpi slt, %sub3A_123, %lt3A : i32
      %convert_element_type3A = arith.extui %lt3A_124 : i1 to i32
      %cond3A = arith.constant 0 : i32
      %cond3A_125 = arith.cmpi ne, %convert_element_type3A, %cond3A : i32
      scf.if %cond3A_125 {
        %add3A_389 = arith.constant 96 : i32
        %add3A_390 = arith.addi %mul3A_120, %add3A_389 : i32
        %dma_start3A_391 = tpu.memref_slice %arg10[%add3A_390] : memref<512xi32, #tpu.memory_space<vmem>> -> memref<32xi32, #tpu.memory_space<vmem>>
        %dma_start3A_392 = arith.constant 0 : i32
        %dma_start3A_393 = arith.constant 0 : i32
        %dma_start3A_394 = tpu.memref_slice %arg5[%dma_start3A_392, %dma_start3A_393] : memref<100000x128xf32, #tpu.memory_space<hbm>> -> memref<100000x128xf32, #tpu.memory_space<hbm>>
        tpu.enqueue_indirect_dma source(%dma_start3A_394 : memref<100000x128xf32, #tpu.memory_space<hbm>>) target(%arg31 : memref<32x128xf32, #tpu.memory_space<vmem>>) offsets(%dma_start3A_391 : memref<32xi32, #tpu.memory_space<vmem>>) semaphore(%arg41 : memref<!tpu.dma_semaphore, #tpu.memory_space<semaphore_mem>>)
        %dma_start3A_395 = tpu.memref_slice %arg10[%add3A_390] : memref<512xi32, #tpu.memory_space<vmem>> -> memref<32xi32, #tpu.memory_space<vmem>>
        %dma_start3A_396 = arith.constant 0 : i32
        %dma_start3A_397 = arith.constant 0 : i32
        %dma_start3A_398 = tpu.memref_slice %arg6[%dma_start3A_396, %dma_start3A_397] : memref<100000x128xf32, #tpu.memory_space<hbm>> -> memref<100000x128xf32, #tpu.memory_space<hbm>>
        tpu.enqueue_indirect_dma source(%dma_start3A_398 : memref<100000x128xf32, #tpu.memory_space<hbm>>) target(%arg32 : memref<32x128xf32, #tpu.memory_space<vmem>>) offsets(%dma_start3A_395 : memref<32xi32, #tpu.memory_space<vmem>>) semaphore(%arg41 : memref<!tpu.dma_semaphore, #tpu.memory_space<semaphore_mem>>)
        %dma_start3A_399 = tpu.memref_slice %arg12[%add3A_390] : memref<512xi32, #tpu.memory_space<vmem>> -> memref<32xi32, #tpu.memory_space<vmem>>
        %dma_start3A_400 = arith.constant 0 : i32
        %dma_start3A_401 = arith.constant 0 : i32
        %dma_start3A_402 = tpu.memref_slice %arg5[%dma_start3A_400, %dma_start3A_401] : memref<100000x128xf32, #tpu.memory_space<hbm>> -> memref<100000x128xf32, #tpu.memory_space<hbm>>
        tpu.enqueue_indirect_dma source(%dma_start3A_402 : memref<100000x128xf32, #tpu.memory_space<hbm>>) target(%arg33 : memref<32x128xf32, #tpu.memory_space<vmem>>) offsets(%dma_start3A_399 : memref<32xi32, #tpu.memory_space<vmem>>) semaphore(%arg41 : memref<!tpu.dma_semaphore, #tpu.memory_space<semaphore_mem>>)
        %dma_start3A_403 = tpu.memref_slice %arg12[%add3A_390] : memref<512xi32, #tpu.memory_space<vmem>> -> memref<32xi32, #tpu.memory_space<vmem>>
        %dma_start3A_404 = arith.constant 0 : i32
        %dma_start3A_405 = arith.constant 0 : i32
        %dma_start3A_406 = tpu.memref_slice %arg6[%dma_start3A_404, %dma_start3A_405] : memref<100000x128xf32, #tpu.memory_space<hbm>> -> memref<100000x128xf32, #tpu.memory_space<hbm>>
        tpu.enqueue_indirect_dma source(%dma_start3A_406 : memref<100000x128xf32, #tpu.memory_space<hbm>>) target(%arg34 : memref<32x128xf32, #tpu.memory_space<vmem>>) offsets(%dma_start3A_403 : memref<32xi32, #tpu.memory_space<vmem>>) semaphore(%arg41 : memref<!tpu.dma_semaphore, #tpu.memory_space<semaphore_mem>>)
        %dma_start3A_407 = tpu.memref_slice %arg11[%add3A_390] : memref<512xi32, #tpu.memory_space<vmem>> -> memref<32xi32, #tpu.memory_space<vmem>>
        %dma_start3A_408 = arith.constant 0 : i32
        %dma_start3A_409 = arith.constant 0 : i32
        %dma_start3A_410 = tpu.memref_slice %arg7[%dma_start3A_408, %dma_start3A_409] : memref<100000x128xf32, #tpu.memory_space<hbm>> -> memref<100000x128xf32, #tpu.memory_space<hbm>>
        tpu.enqueue_indirect_dma source(%dma_start3A_410 : memref<100000x128xf32, #tpu.memory_space<hbm>>) target(%arg35 : memref<32x128xf32, #tpu.memory_space<vmem>>) offsets(%dma_start3A_407 : memref<32xi32, #tpu.memory_space<vmem>>) semaphore(%arg41 : memref<!tpu.dma_semaphore, #tpu.memory_space<semaphore_mem>>)
        %dma_start3A_411 = tpu.memref_slice %arg11[%add3A_390] : memref<512xi32, #tpu.memory_space<vmem>> -> memref<32xi32, #tpu.memory_space<vmem>>
        %dma_start3A_412 = arith.constant 0 : i32
        %dma_start3A_413 = arith.constant 0 : i32
        %dma_start3A_414 = tpu.memref_slice %arg8[%dma_start3A_412, %dma_start3A_413] : memref<100000x128xf32, #tpu.memory_space<hbm>> -> memref<100000x128xf32, #tpu.memory_space<hbm>>
        tpu.enqueue_indirect_dma source(%dma_start3A_414 : memref<100000x128xf32, #tpu.memory_space<hbm>>) target(%arg36 : memref<32x128xf32, #tpu.memory_space<vmem>>) offsets(%dma_start3A_411 : memref<32xi32, #tpu.memory_space<vmem>>) semaphore(%arg41 : memref<!tpu.dma_semaphore, #tpu.memory_space<semaphore_mem>>)
      } else {
      }
      %dma_wait3A_126 = arith.constant 0 : i32
      %dma_wait3A_127 = tpu.memref_slice %arg10[%dma_wait3A_126] : memref<512xi32, #tpu.memory_space<vmem>> -> memref<32xi32, #tpu.memory_space<vmem>>
      %dma_wait3A_128 = arith.constant 0 : i32
      %dma_wait3A_129 = arith.constant 0 : i32
      %dma_wait3A_130 = tpu.memref_slice %arg5[%dma_wait3A_128, %dma_wait3A_129] : memref<100000x128xf32, #tpu.memory_space<hbm>> -> memref<100000x128xf32, #tpu.memory_space<hbm>>
      tpu.wait_indirect_dma semaphore(%arg38 : memref<!tpu.dma_semaphore, #tpu.memory_space<semaphore_mem>>) src(%dma_wait3A_130 : memref<100000x128xf32, #tpu.memory_space<hbm>>) dst(%arg13 : memref<32x128xf32, #tpu.memory_space<vmem>>)
      %dma_wait3A_131 = arith.constant 0 : i32
      %dma_wait3A_132 = tpu.memref_slice %arg10[%dma_wait3A_131] : memref<512xi32, #tpu.memory_space<vmem>> -> memref<32xi32, #tpu.memory_space<vmem>>
      %dma_wait3A_133 = arith.constant 0 : i32
      %dma_wait3A_134 = arith.constant 0 : i32
      %dma_wait3A_135 = tpu.memref_slice %arg5[%dma_wait3A_133, %dma_wait3A_134] : memref<100000x128xf32, #tpu.memory_space<hbm>> -> memref<100000x128xf32, #tpu.memory_space<hbm>>
      tpu.wait_indirect_dma semaphore(%arg38 : memref<!tpu.dma_semaphore, #tpu.memory_space<semaphore_mem>>) src(%dma_wait3A_135 : memref<100000x128xf32, #tpu.memory_space<hbm>>) dst(%arg14 : memref<32x128xf32, #tpu.memory_space<vmem>>)
      %dma_wait3A_136 = arith.constant 0 : i32
      %dma_wait3A_137 = tpu.memref_slice %arg10[%dma_wait3A_136] : memref<512xi32, #tpu.memory_space<vmem>> -> memref<32xi32, #tpu.memory_space<vmem>>
      %dma_wait3A_138 = arith.constant 0 : i32
      %dma_wait3A_139 = arith.constant 0 : i32
      %dma_wait3A_140 = tpu.memref_slice %arg5[%dma_wait3A_138, %dma_wait3A_139] : memref<100000x128xf32, #tpu.memory_space<hbm>> -> memref<100000x128xf32, #tpu.memory_space<hbm>>
      tpu.wait_indirect_dma semaphore(%arg38 : memref<!tpu.dma_semaphore, #tpu.memory_space<semaphore_mem>>) src(%dma_wait3A_140 : memref<100000x128xf32, #tpu.memory_space<hbm>>) dst(%arg15 : memref<32x128xf32, #tpu.memory_space<vmem>>)
      %dma_wait3A_141 = arith.constant 0 : i32
      %dma_wait3A_142 = tpu.memref_slice %arg10[%dma_wait3A_141] : memref<512xi32, #tpu.memory_space<vmem>> -> memref<32xi32, #tpu.memory_space<vmem>>
      %dma_wait3A_143 = arith.constant 0 : i32
      %dma_wait3A_144 = arith.constant 0 : i32
      %dma_wait3A_145 = tpu.memref_slice %arg5[%dma_wait3A_143, %dma_wait3A_144] : memref<100000x128xf32, #tpu.memory_space<hbm>> -> memref<100000x128xf32, #tpu.memory_space<hbm>>
      tpu.wait_indirect_dma semaphore(%arg38 : memref<!tpu.dma_semaphore, #tpu.memory_space<semaphore_mem>>) src(%dma_wait3A_145 : memref<100000x128xf32, #tpu.memory_space<hbm>>) dst(%arg16 : memref<32x128xf32, #tpu.memory_space<vmem>>)
      %dma_wait3A_146 = arith.constant 0 : i32
      %dma_wait3A_147 = tpu.memref_slice %arg10[%dma_wait3A_146] : memref<512xi32, #tpu.memory_space<vmem>> -> memref<32xi32, #tpu.memory_space<vmem>>
      %dma_wait3A_148 = arith.constant 0 : i32
      %dma_wait3A_149 = arith.constant 0 : i32
      %dma_wait3A_150 = tpu.memref_slice %arg5[%dma_wait3A_148, %dma_wait3A_149] : memref<100000x128xf32, #tpu.memory_space<hbm>> -> memref<100000x128xf32, #tpu.memory_space<hbm>>
      tpu.wait_indirect_dma semaphore(%arg38 : memref<!tpu.dma_semaphore, #tpu.memory_space<semaphore_mem>>) src(%dma_wait3A_150 : memref<100000x128xf32, #tpu.memory_space<hbm>>) dst(%arg17 : memref<32x128xf32, #tpu.memory_space<vmem>>)
      %dma_wait3A_151 = arith.constant 0 : i32
      %dma_wait3A_152 = tpu.memref_slice %arg10[%dma_wait3A_151] : memref<512xi32, #tpu.memory_space<vmem>> -> memref<32xi32, #tpu.memory_space<vmem>>
      %dma_wait3A_153 = arith.constant 0 : i32
      %dma_wait3A_154 = arith.constant 0 : i32
      %dma_wait3A_155 = tpu.memref_slice %arg5[%dma_wait3A_153, %dma_wait3A_154] : memref<100000x128xf32, #tpu.memory_space<hbm>> -> memref<100000x128xf32, #tpu.memory_space<hbm>>
      tpu.wait_indirect_dma semaphore(%arg38 : memref<!tpu.dma_semaphore, #tpu.memory_space<semaphore_mem>>) src(%dma_wait3A_155 : memref<100000x128xf32, #tpu.memory_space<hbm>>) dst(%arg18 : memref<32x128xf32, #tpu.memory_space<vmem>>)
      %scan3A_156 = arith.constant 0 : i32
      %scan3A_157 = arith.constant 128 : i32
      %scan3A_158 = arith.addi %scan3A_156, %scan3A_157 : i32
      %scan3A_159 = arith.constant 1 : i32
      %scan3A_160:2 = scf.for %scan3A_389 = %scan3A_156 to %scan3A_158 step %scan3A_159 iter_args(%scan3A_390 = %broadcast_in_dim3A_16, %scan3A_391 = %broadcast_in_dim3A_16) -> (vector<16xf32>, vector<16xf32>)  : i32 {
        %add3A_392 = vector.broadcast %scan3A_389 : i32 to vector<16xi32>
        %add3A_393 = arith.addi %add3A_392, %mul3A_15 : vector<16xi32>
        %and3A = arith.constant 127 : i32
        %and3A_394 = vector.broadcast %and3A : i32 to vector<16xi32>
        %and3A_395 = arith.andi %add3A_393, %and3A_394 : vector<16xi32>
        %add3A_396 = arith.constant 0 : i32
        %add3A_397 = vector.broadcast %add3A_396 : i32 to vector<16xi32>
        %add3A_398 = arith.addi %iota3A, %add3A_397 : vector<16xi32>
        %gather3A = tpu.vector_load_idx %arg13[%add3A_398, %and3A_395] : memref<32x128xf32, #tpu.memory_space<vmem>>[vector<16xi32>, vector<16xi32>], vector<16xf32>,
        %gather3A_399 = tpu.vector_load_idx %arg14[%add3A_398, %and3A_395] : memref<32x128xf32, #tpu.memory_space<vmem>>[vector<16xi32>, vector<16xi32>], vector<16xf32>,
        %gather3A_400 = tpu.vector_load_idx %arg15[%add3A_398, %and3A_395] : memref<32x128xf32, #tpu.memory_space<vmem>>[vector<16xi32>, vector<16xi32>], vector<16xf32>,
        %gather3A_401 = tpu.vector_load_idx %arg16[%add3A_398, %and3A_395] : memref<32x128xf32, #tpu.memory_space<vmem>>[vector<16xi32>, vector<16xi32>], vector<16xf32>,
        %gather3A_402 = tpu.vector_load_idx %arg17[%add3A_398, %and3A_395] : memref<32x128xf32, #tpu.memory_space<vmem>>[vector<16xi32>, vector<16xi32>], vector<16xf32>,
        %gather3A_403 = tpu.vector_load_idx %arg18[%add3A_398, %and3A_395] : memref<32x128xf32, #tpu.memory_space<vmem>>[vector<16xi32>, vector<16xi32>], vector<16xf32>,
        %add3A_404 = arith.addf %gather3A_401, %gather3A_399 : vector<16xf32>
        %sub3A_405 = arith.subf %gather3A_400, %gather3A : vector<16xf32>
        %sub3A_406 = arith.subf %gather3A_402, %sub3A_405 : vector<16xf32>
        %mul3A_407 = arith.mulf %sub3A_406, %sub3A_406 : vector<16xf32>
        %add3A_408 = arith.addf %add3A_404, %mul3A_407 : vector<16xf32>
        %mul3A_409 = arith.mulf %add3A_408, %add3A_404 : vector<16xf32>
        %add3A_410 = arith.addf %gather3A_403, %mul3A_407 : vector<16xf32>
        %mul3A_411 = arith.mulf %add3A_410, %gather3A_403 : vector<16xf32>
        %add3A_412 = arith.addf %mul3A_409, %mul3A_411 : vector<16xf32>
        %mul3A_413 = arith.mulf %gather3A_403, %add3A_404 : vector<16xf32>
        %div3A = arith.divf %add3A_412, %mul3A_413 : vector<16xf32>
        %add3A_414 = arith.addf %scan3A_390, %div3A : vector<16xf32>
        %add3A_415 = arith.constant 16 : i32
        %add3A_416 = vector.broadcast %add3A_415 : i32 to vector<16xi32>
        %add3A_417 = arith.addi %iota3A, %add3A_416 : vector<16xi32>
        %gather3A_418 = tpu.vector_load_idx %arg13[%add3A_417, %and3A_395] : memref<32x128xf32, #tpu.memory_space<vmem>>[vector<16xi32>, vector<16xi32>], vector<16xf32>,
        %gather3A_419 = tpu.vector_load_idx %arg14[%add3A_417, %and3A_395] : memref<32x128xf32, #tpu.memory_space<vmem>>[vector<16xi32>, vector<16xi32>], vector<16xf32>,
        %gather3A_420 = tpu.vector_load_idx %arg15[%add3A_417, %and3A_395] : memref<32x128xf32, #tpu.memory_space<vmem>>[vector<16xi32>, vector<16xi32>], vector<16xf32>,
        %gather3A_421 = tpu.vector_load_idx %arg16[%add3A_417, %and3A_395] : memref<32x128xf32, #tpu.memory_space<vmem>>[vector<16xi32>, vector<16xi32>], vector<16xf32>,
        %gather3A_422 = tpu.vector_load_idx %arg17[%add3A_417, %and3A_395] : memref<32x128xf32, #tpu.memory_space<vmem>>[vector<16xi32>, vector<16xi32>], vector<16xf32>,
        %gather3A_423 = tpu.vector_load_idx %arg18[%add3A_417, %and3A_395] : memref<32x128xf32, #tpu.memory_space<vmem>>[vector<16xi32>, vector<16xi32>], vector<16xf32>,
        %add3A_424 = arith.addf %gather3A_421, %gather3A_419 : vector<16xf32>
        %sub3A_425 = arith.subf %gather3A_420, %gather3A_418 : vector<16xf32>
        %sub3A_426 = arith.subf %gather3A_422, %sub3A_425 : vector<16xf32>
        %mul3A_427 = arith.mulf %sub3A_426, %sub3A_426 : vector<16xf32>
        %add3A_428 = arith.addf %add3A_424, %mul3A_427 : vector<16xf32>
        %mul3A_429 = arith.mulf %add3A_428, %add3A_424 : vector<16xf32>
        %add3A_430 = arith.addf %gather3A_423, %mul3A_427 : vector<16xf32>
        %mul3A_431 = arith.mulf %add3A_430, %gather3A_423 : vector<16xf32>
        %add3A_432 = arith.addf %mul3A_429, %mul3A_431 : vector<16xf32>
        %mul3A_433 = arith.mulf %gather3A_423, %add3A_424 : vector<16xf32>
        %div3A_434 = arith.divf %add3A_432, %mul3A_433 : vector<16xf32>
        %add3A_435 = arith.addf %scan3A_391, %div3A_434 : vector<16xf32>
        scf.yield %add3A_414, %add3A_435 : vector<16xf32>, vector<16xf32>
      }
      %scan3A_161 = arith.constant 128 : i32
      %sub3A_162 = arith.constant 2.560000e+02 : f32
      %sub3A_163 = vector.broadcast %sub3A_162 : f32 to vector<16xf32>
      %sub3A_164 = arith.subf %scan3A_160#0, %sub3A_163 : vector<16xf32>
      %mul3A_165 = arith.constant 2.500000e-01 : f32
      %mul3A_166 = vector.broadcast %mul3A_165 : f32 to vector<16xf32>
      %mul3A_167 = arith.mulf %sub3A_164, %mul3A_166 : vector<16xf32>
      %add3A_168 = arith.constant 0 : i32
      %add3A_169 = arith.addi %mul3A_120, %add3A_168 : i32
      %swap3A = arith.index_cast %add3A_169 : i32 to index
      %swap3A_170 = tpu.vector_load %arg37[%swap3A] {strides = array<i32>} : memref<512xf32, #tpu.memory_space<vmem>>, vector<16xf32>,
      tpu.vector_store %arg37[%swap3A], %mul3A_167 {strides = array<i32>} : memref<512xf32, #tpu.memory_space<vmem>>, vector<16xf32>,
      %sub3A_171 = arith.constant 2.560000e+02 : f32
      %sub3A_172 = vector.broadcast %sub3A_171 : f32 to vector<16xf32>
      %sub3A_173 = arith.subf %scan3A_160#1, %sub3A_172 : vector<16xf32>
      %mul3A_174 = arith.constant 2.500000e-01 : f32
      %mul3A_175 = vector.broadcast %mul3A_174 : f32 to vector<16xf32>
      %mul3A_176 = arith.mulf %sub3A_173, %mul3A_175 : vector<16xf32>
      %add3A_177 = arith.constant 16 : i32
      %add3A_178 = arith.addi %mul3A_120, %add3A_177 : i32
      %swap3A_179 = arith.index_cast %add3A_178 : i32 to index
      %swap3A_180 = tpu.vector_load %arg37[%swap3A_179] {strides = array<i32>} : memref<512xf32, #tpu.memory_space<vmem>>, vector<16xf32>,
      tpu.vector_store %arg37[%swap3A_179], %mul3A_176 {strides = array<i32>} : memref<512xf32, #tpu.memory_space<vmem>>, vector<16xf32>,
      %add3A_181 = arith.constant 1 : i32
      %add3A_182 = arith.addi %mul3A_116, %add3A_181 : i32
      %mul3A_183 = arith.constant 32 : i32
      %mul3A_184 = arith.muli %add3A_182, %mul3A_183 : i32
      %add3A_185 = arith.constant 4 : i32
      %add3A_186 = arith.addi %add3A_182, %add3A_185 : i32
      %sub3A_187 = arith.constant 1 : i32
      %sub3A_188 = arith.subi %add3A_186, %sub3A_187 : i32
      %lt3A_189 = arith.constant 16 : i32
      %lt3A_190 = arith.cmpi slt, %sub3A_188, %lt3A_189 : i32
      %convert_element_type3A_191 = arith.extui %lt3A_190 : i1 to i32
      %cond3A_192 = arith.constant 0 : i32
      %cond3A_193 = arith.cmpi ne, %convert_element_type3A_191, %cond3A_192 : i32
      scf.if %cond3A_193 {
        %add3A_389 = arith.constant 96 : i32
        %add3A_390 = arith.addi %mul3A_184, %add3A_389 : i32
        %dma_start3A_391 = tpu.memref_slice %arg10[%add3A_390] : memref<512xi32, #tpu.memory_space<vmem>> -> memref<32xi32, #tpu.memory_space<vmem>>
        %dma_start3A_392 = arith.constant 0 : i32
        %dma_start3A_393 = arith.constant 0 : i32
        %dma_start3A_394 = tpu.memref_slice %arg5[%dma_start3A_392, %dma_start3A_393] : memref<100000x128xf32, #tpu.memory_space<hbm>> -> memref<100000x128xf32, #tpu.memory_space<hbm>>
        tpu.enqueue_indirect_dma source(%dma_start3A_394 : memref<100000x128xf32, #tpu.memory_space<hbm>>) target(%arg13 : memref<32x128xf32, #tpu.memory_space<vmem>>) offsets(%dma_start3A_391 : memref<32xi32, #tpu.memory_space<vmem>>) semaphore(%arg38 : memref<!tpu.dma_semaphore, #tpu.memory_space<semaphore_mem>>)
        %dma_start3A_395 = tpu.memref_slice %arg10[%add3A_390] : memref<512xi32, #tpu.memory_space<vmem>> -> memref<32xi32, #tpu.memory_space<vmem>>
        %dma_start3A_396 = arith.constant 0 : i32
        %dma_start3A_397 = arith.constant 0 : i32
        %dma_start3A_398 = tpu.memref_slice %arg6[%dma_start3A_396, %dma_start3A_397] : memref<100000x128xf32, #tpu.memory_space<hbm>> -> memref<100000x128xf32, #tpu.memory_space<hbm>>
        tpu.enqueue_indirect_dma source(%dma_start3A_398 : memref<100000x128xf32, #tpu.memory_space<hbm>>) target(%arg14 : memref<32x128xf32, #tpu.memory_space<vmem>>) offsets(%dma_start3A_395 : memref<32xi32, #tpu.memory_space<vmem>>) semaphore(%arg38 : memref<!tpu.dma_semaphore, #tpu.memory_space<semaphore_mem>>)
        %dma_start3A_399 = tpu.memref_slice %arg12[%add3A_390] : memref<512xi32, #tpu.memory_space<vmem>> -> memref<32xi32, #tpu.memory_space<vmem>>
        %dma_start3A_400 = arith.constant 0 : i32
        %dma_start3A_401 = arith.constant 0 : i32
        %dma_start3A_402 = tpu.memref_slice %arg5[%dma_start3A_400, %dma_start3A_401] : memref<100000x128xf32, #tpu.memory_space<hbm>> -> memref<100000x128xf32, #tpu.memory_space<hbm>>
        tpu.enqueue_indirect_dma source(%dma_start3A_402 : memref<100000x128xf32, #tpu.memory_space<hbm>>) target(%arg15 : memref<32x128xf32, #tpu.memory_space<vmem>>) offsets(%dma_start3A_399 : memref<32xi32, #tpu.memory_space<vmem>>) semaphore(%arg38 : memref<!tpu.dma_semaphore, #tpu.memory_space<semaphore_mem>>)
        %dma_start3A_403 = tpu.memref_slice %arg12[%add3A_390] : memref<512xi32, #tpu.memory_space<vmem>> -> memref<32xi32, #tpu.memory_space<vmem>>
        %dma_start3A_404 = arith.constant 0 : i32
        %dma_start3A_405 = arith.constant 0 : i32
        %dma_start3A_406 = tpu.memref_slice %arg6[%dma_start3A_404, %dma_start3A_405] : memref<100000x128xf32, #tpu.memory_space<hbm>> -> memref<100000x128xf32, #tpu.memory_space<hbm>>
        tpu.enqueue_indirect_dma source(%dma_start3A_406 : memref<100000x128xf32, #tpu.memory_space<hbm>>) target(%arg16 : memref<32x128xf32, #tpu.memory_space<vmem>>) offsets(%dma_start3A_403 : memref<32xi32, #tpu.memory_space<vmem>>) semaphore(%arg38 : memref<!tpu.dma_semaphore, #tpu.memory_space<semaphore_mem>>)
        %dma_start3A_407 = tpu.memref_slice %arg11[%add3A_390] : memref<512xi32, #tpu.memory_space<vmem>> -> memref<32xi32, #tpu.memory_space<vmem>>
        %dma_start3A_408 = arith.constant 0 : i32
        %dma_start3A_409 = arith.constant 0 : i32
        %dma_start3A_410 = tpu.memref_slice %arg7[%dma_start3A_408, %dma_start3A_409] : memref<100000x128xf32, #tpu.memory_space<hbm>> -> memref<100000x128xf32, #tpu.memory_space<hbm>>
        tpu.enqueue_indirect_dma source(%dma_start3A_410 : memref<100000x128xf32, #tpu.memory_space<hbm>>) target(%arg17 : memref<32x128xf32, #tpu.memory_space<vmem>>) offsets(%dma_start3A_407 : memref<32xi32, #tpu.memory_space<vmem>>) semaphore(%arg38 : memref<!tpu.dma_semaphore, #tpu.memory_space<semaphore_mem>>)
        %dma_start3A_411 = tpu.memref_slice %arg11[%add3A_390] : memref<512xi32, #tpu.memory_space<vmem>> -> memref<32xi32, #tpu.memory_space<vmem>>
        %dma_start3A_412 = arith.constant 0 : i32
        %dma_start3A_413 = arith.constant 0 : i32
        %dma_start3A_414 = tpu.memref_slice %arg8[%dma_start3A_412, %dma_start3A_413] : memref<100000x128xf32, #tpu.memory_space<hbm>> -> memref<100000x128xf32, #tpu.memory_space<hbm>>
        tpu.enqueue_indirect_dma source(%dma_start3A_414 : memref<100000x128xf32, #tpu.memory_space<hbm>>) target(%arg18 : memref<32x128xf32, #tpu.memory_space<vmem>>) offsets(%dma_start3A_411 : memref<32xi32, #tpu.memory_space<vmem>>) semaphore(%arg38 : memref<!tpu.dma_semaphore, #tpu.memory_space<semaphore_mem>>)
      } else {
      }
      %dma_wait3A_194 = arith.constant 0 : i32
      %dma_wait3A_195 = tpu.memref_slice %arg10[%dma_wait3A_194] : memref<512xi32, #tpu.memory_space<vmem>> -> memref<32xi32, #tpu.memory_space<vmem>>
      %dma_wait3A_196 = arith.constant 0 : i32
      %dma_wait3A_197 = arith.constant 0 : i32
      %dma_wait3A_198 = tpu.memref_slice %arg5[%dma_wait3A_196, %dma_wait3A_197] : memref<100000x128xf32, #tpu.memory_space<hbm>> -> memref<100000x128xf32, #tpu.memory_space<hbm>>
      tpu.wait_indirect_dma semaphore(%arg39 : memref<!tpu.dma_semaphore, #tpu.memory_space<semaphore_mem>>) src(%dma_wait3A_198 : memref<100000x128xf32, #tpu.memory_space<hbm>>) dst(%arg19 : memref<32x128xf32, #tpu.memory_space<vmem>>)
      %dma_wait3A_199 = arith.constant 0 : i32
      %dma_wait3A_200 = tpu.memref_slice %arg10[%dma_wait3A_199] : memref<512xi32, #tpu.memory_space<vmem>> -> memref<32xi32, #tpu.memory_space<vmem>>
      %dma_wait3A_201 = arith.constant 0 : i32
      %dma_wait3A_202 = arith.constant 0 : i32
      %dma_wait3A_203 = tpu.memref_slice %arg5[%dma_wait3A_201, %dma_wait3A_202] : memref<100000x128xf32, #tpu.memory_space<hbm>> -> memref<100000x128xf32, #tpu.memory_space<hbm>>
      tpu.wait_indirect_dma semaphore(%arg39 : memref<!tpu.dma_semaphore, #tpu.memory_space<semaphore_mem>>) src(%dma_wait3A_203 : memref<100000x128xf32, #tpu.memory_space<hbm>>) dst(%arg20 : memref<32x128xf32, #tpu.memory_space<vmem>>)
      %dma_wait3A_204 = arith.constant 0 : i32
      %dma_wait3A_205 = tpu.memref_slice %arg10[%dma_wait3A_204] : memref<512xi32, #tpu.memory_space<vmem>> -> memref<32xi32, #tpu.memory_space<vmem>>
      %dma_wait3A_206 = arith.constant 0 : i32
      %dma_wait3A_207 = arith.constant 0 : i32
      %dma_wait3A_208 = tpu.memref_slice %arg5[%dma_wait3A_206, %dma_wait3A_207] : memref<100000x128xf32, #tpu.memory_space<hbm>> -> memref<100000x128xf32, #tpu.memory_space<hbm>>
      tpu.wait_indirect_dma semaphore(%arg39 : memref<!tpu.dma_semaphore, #tpu.memory_space<semaphore_mem>>) src(%dma_wait3A_208 : memref<100000x128xf32, #tpu.memory_space<hbm>>) dst(%arg21 : memref<32x128xf32, #tpu.memory_space<vmem>>)
      %dma_wait3A_209 = arith.constant 0 : i32
      %dma_wait3A_210 = tpu.memref_slice %arg10[%dma_wait3A_209] : memref<512xi32, #tpu.memory_space<vmem>> -> memref<32xi32, #tpu.memory_space<vmem>>
      %dma_wait3A_211 = arith.constant 0 : i32
      %dma_wait3A_212 = arith.constant 0 : i32
      %dma_wait3A_213 = tpu.memref_slice %arg5[%dma_wait3A_211, %dma_wait3A_212] : memref<100000x128xf32, #tpu.memory_space<hbm>> -> memref<100000x128xf32, #tpu.memory_space<hbm>>
      tpu.wait_indirect_dma semaphore(%arg39 : memref<!tpu.dma_semaphore, #tpu.memory_space<semaphore_mem>>) src(%dma_wait3A_213 : memref<100000x128xf32, #tpu.memory_space<hbm>>) dst(%arg22 : memref<32x128xf32, #tpu.memory_space<vmem>>)
      %dma_wait3A_214 = arith.constant 0 : i32
      %dma_wait3A_215 = tpu.memref_slice %arg10[%dma_wait3A_214] : memref<512xi32, #tpu.memory_space<vmem>> -> memref<32xi32, #tpu.memory_space<vmem>>
      %dma_wait3A_216 = arith.constant 0 : i32
      %dma_wait3A_217 = arith.constant 0 : i32
      %dma_wait3A_218 = tpu.memref_slice %arg5[%dma_wait3A_216, %dma_wait3A_217] : memref<100000x128xf32, #tpu.memory_space<hbm>> -> memref<100000x128xf32, #tpu.memory_space<hbm>>
      tpu.wait_indirect_dma semaphore(%arg39 : memref<!tpu.dma_semaphore, #tpu.memory_space<semaphore_mem>>) src(%dma_wait3A_218 : memref<100000x128xf32, #tpu.memory_space<hbm>>) dst(%arg23 : memref<32x128xf32, #tpu.memory_space<vmem>>)
      %dma_wait3A_219 = arith.constant 0 : i32
      %dma_wait3A_220 = tpu.memref_slice %arg10[%dma_wait3A_219] : memref<512xi32, #tpu.memory_space<vmem>> -> memref<32xi32, #tpu.memory_space<vmem>>
      %dma_wait3A_221 = arith.constant 0 : i32
      %dma_wait3A_222 = arith.constant 0 : i32
      %dma_wait3A_223 = tpu.memref_slice %arg5[%dma_wait3A_221, %dma_wait3A_222] : memref<100000x128xf32, #tpu.memory_space<hbm>> -> memref<100000x128xf32, #tpu.memory_space<hbm>>
      tpu.wait_indirect_dma semaphore(%arg39 : memref<!tpu.dma_semaphore, #tpu.memory_space<semaphore_mem>>) src(%dma_wait3A_223 : memref<100000x128xf32, #tpu.memory_space<hbm>>) dst(%arg24 : memref<32x128xf32, #tpu.memory_space<vmem>>)
      %scan3A_224 = arith.constant 0 : i32
      %scan3A_225 = arith.constant 128 : i32
      %scan3A_226 = arith.addi %scan3A_224, %scan3A_225 : i32
      %scan3A_227 = arith.constant 1 : i32
      %scan3A_228:2 = scf.for %scan3A_389 = %scan3A_224 to %scan3A_226 step %scan3A_227 iter_args(%scan3A_390 = %broadcast_in_dim3A_16, %scan3A_391 = %broadcast_in_dim3A_16) -> (vector<16xf32>, vector<16xf32>)  : i32 {
        %add3A_392 = vector.broadcast %scan3A_389 : i32 to vector<16xi32>
        %add3A_393 = arith.addi %add3A_392, %mul3A_15 : vector<16xi32>
        %and3A = arith.constant 127 : i32
        %and3A_394 = vector.broadcast %and3A : i32 to vector<16xi32>
        %and3A_395 = arith.andi %add3A_393, %and3A_394 : vector<16xi32>
        %add3A_396 = arith.constant 0 : i32
        %add3A_397 = vector.broadcast %add3A_396 : i32 to vector<16xi32>
        %add3A_398 = arith.addi %iota3A, %add3A_397 : vector<16xi32>
        %gather3A = tpu.vector_load_idx %arg19[%add3A_398, %and3A_395] : memref<32x128xf32, #tpu.memory_space<vmem>>[vector<16xi32>, vector<16xi32>], vector<16xf32>,
        %gather3A_399 = tpu.vector_load_idx %arg20[%add3A_398, %and3A_395] : memref<32x128xf32, #tpu.memory_space<vmem>>[vector<16xi32>, vector<16xi32>], vector<16xf32>,
        %gather3A_400 = tpu.vector_load_idx %arg21[%add3A_398, %and3A_395] : memref<32x128xf32, #tpu.memory_space<vmem>>[vector<16xi32>, vector<16xi32>], vector<16xf32>,
        %gather3A_401 = tpu.vector_load_idx %arg22[%add3A_398, %and3A_395] : memref<32x128xf32, #tpu.memory_space<vmem>>[vector<16xi32>, vector<16xi32>], vector<16xf32>,
        %gather3A_402 = tpu.vector_load_idx %arg23[%add3A_398, %and3A_395] : memref<32x128xf32, #tpu.memory_space<vmem>>[vector<16xi32>, vector<16xi32>], vector<16xf32>,
        %gather3A_403 = tpu.vector_load_idx %arg24[%add3A_398, %and3A_395] : memref<32x128xf32, #tpu.memory_space<vmem>>[vector<16xi32>, vector<16xi32>], vector<16xf32>,
        %add3A_404 = arith.addf %gather3A_401, %gather3A_399 : vector<16xf32>
        %sub3A_405 = arith.subf %gather3A_400, %gather3A : vector<16xf32>
        %sub3A_406 = arith.subf %gather3A_402, %sub3A_405 : vector<16xf32>
        %mul3A_407 = arith.mulf %sub3A_406, %sub3A_406 : vector<16xf32>
        %add3A_408 = arith.addf %add3A_404, %mul3A_407 : vector<16xf32>
        %mul3A_409 = arith.mulf %add3A_408, %add3A_404 : vector<16xf32>
        %add3A_410 = arith.addf %gather3A_403, %mul3A_407 : vector<16xf32>
        %mul3A_411 = arith.mulf %add3A_410, %gather3A_403 : vector<16xf32>
        %add3A_412 = arith.addf %mul3A_409, %mul3A_411 : vector<16xf32>
        %mul3A_413 = arith.mulf %gather3A_403, %add3A_404 : vector<16xf32>
        %div3A = arith.divf %add3A_412, %mul3A_413 : vector<16xf32>
        %add3A_414 = arith.addf %scan3A_390, %div3A : vector<16xf32>
        %add3A_415 = arith.constant 16 : i32
        %add3A_416 = vector.broadcast %add3A_415 : i32 to vector<16xi32>
        %add3A_417 = arith.addi %iota3A, %add3A_416 : vector<16xi32>
        %gather3A_418 = tpu.vector_load_idx %arg19[%add3A_417, %and3A_395] : memref<32x128xf32, #tpu.memory_space<vmem>>[vector<16xi32>, vector<16xi32>], vector<16xf32>,
        %gather3A_419 = tpu.vector_load_idx %arg20[%add3A_417, %and3A_395] : memref<32x128xf32, #tpu.memory_space<vmem>>[vector<16xi32>, vector<16xi32>], vector<16xf32>,
        %gather3A_420 = tpu.vector_load_idx %arg21[%add3A_417, %and3A_395] : memref<32x128xf32, #tpu.memory_space<vmem>>[vector<16xi32>, vector<16xi32>], vector<16xf32>,
        %gather3A_421 = tpu.vector_load_idx %arg22[%add3A_417, %and3A_395] : memref<32x128xf32, #tpu.memory_space<vmem>>[vector<16xi32>, vector<16xi32>], vector<16xf32>,
        %gather3A_422 = tpu.vector_load_idx %arg23[%add3A_417, %and3A_395] : memref<32x128xf32, #tpu.memory_space<vmem>>[vector<16xi32>, vector<16xi32>], vector<16xf32>,
        %gather3A_423 = tpu.vector_load_idx %arg24[%add3A_417, %and3A_395] : memref<32x128xf32, #tpu.memory_space<vmem>>[vector<16xi32>, vector<16xi32>], vector<16xf32>,
        %add3A_424 = arith.addf %gather3A_421, %gather3A_419 : vector<16xf32>
        %sub3A_425 = arith.subf %gather3A_420, %gather3A_418 : vector<16xf32>
        %sub3A_426 = arith.subf %gather3A_422, %sub3A_425 : vector<16xf32>
        %mul3A_427 = arith.mulf %sub3A_426, %sub3A_426 : vector<16xf32>
        %add3A_428 = arith.addf %add3A_424, %mul3A_427 : vector<16xf32>
        %mul3A_429 = arith.mulf %add3A_428, %add3A_424 : vector<16xf32>
        %add3A_430 = arith.addf %gather3A_423, %mul3A_427 : vector<16xf32>
        %mul3A_431 = arith.mulf %add3A_430, %gather3A_423 : vector<16xf32>
        %add3A_432 = arith.addf %mul3A_429, %mul3A_431 : vector<16xf32>
        %mul3A_433 = arith.mulf %gather3A_423, %add3A_424 : vector<16xf32>
        %div3A_434 = arith.divf %add3A_432, %mul3A_433 : vector<16xf32>
        %add3A_435 = arith.addf %scan3A_391, %div3A_434 : vector<16xf32>
        scf.yield %add3A_414, %add3A_435 : vector<16xf32>, vector<16xf32>
      }
      %scan3A_229 = arith.constant 128 : i32
      %sub3A_230 = arith.constant 2.560000e+02 : f32
      %sub3A_231 = vector.broadcast %sub3A_230 : f32 to vector<16xf32>
      %sub3A_232 = arith.subf %scan3A_228#0, %sub3A_231 : vector<16xf32>
      %mul3A_233 = arith.constant 2.500000e-01 : f32
      %mul3A_234 = vector.broadcast %mul3A_233 : f32 to vector<16xf32>
      %mul3A_235 = arith.mulf %sub3A_232, %mul3A_234 : vector<16xf32>
      %add3A_236 = arith.constant 0 : i32
      %add3A_237 = arith.addi %mul3A_184, %add3A_236 : i32
      %swap3A_238 = arith.index_cast %add3A_237 : i32 to index
      %swap3A_239 = tpu.vector_load %arg37[%swap3A_238] {strides = array<i32>} : memref<512xf32, #tpu.memory_space<vmem>>, vector<16xf32>,
      tpu.vector_store %arg37[%swap3A_238], %mul3A_235 {strides = array<i32>} : memref<512xf32, #tpu.memory_space<vmem>>, vector<16xf32>,
      %sub3A_240 = arith.constant 2.560000e+02 : f32
      %sub3A_241 = vector.broadcast %sub3A_240 : f32 to vector<16xf32>
      %sub3A_242 = arith.subf %scan3A_228#1, %sub3A_241 : vector<16xf32>
      %mul3A_243 = arith.constant 2.500000e-01 : f32
      %mul3A_244 = vector.broadcast %mul3A_243 : f32 to vector<16xf32>
      %mul3A_245 = arith.mulf %sub3A_242, %mul3A_244 : vector<16xf32>
      %add3A_246 = arith.constant 16 : i32
      %add3A_247 = arith.addi %mul3A_184, %add3A_246 : i32
      %swap3A_248 = arith.index_cast %add3A_247 : i32 to index
      %swap3A_249 = tpu.vector_load %arg37[%swap3A_248] {strides = array<i32>} : memref<512xf32, #tpu.memory_space<vmem>>, vector<16xf32>,
      tpu.vector_store %arg37[%swap3A_248], %mul3A_245 {strides = array<i32>} : memref<512xf32, #tpu.memory_space<vmem>>, vector<16xf32>,
      %add3A_250 = arith.constant 2 : i32
      %add3A_251 = arith.addi %mul3A_116, %add3A_250 : i32
      %mul3A_252 = arith.constant 32 : i32
      %mul3A_253 = arith.muli %add3A_251, %mul3A_252 : i32
      %add3A_254 = arith.constant 4 : i32
      %add3A_255 = arith.addi %add3A_251, %add3A_254 : i32
      %sub3A_256 = arith.constant 1 : i32
      %sub3A_257 = arith.subi %add3A_255, %sub3A_256 : i32
      %lt3A_258 = arith.constant 16 : i32
      %lt3A_259 = arith.cmpi slt, %sub3A_257, %lt3A_258 : i32
      %convert_element_type3A_260 = arith.extui %lt3A_259 : i1 to i32
      %cond3A_261 = arith.constant 0 : i32
      %cond3A_262 = arith.cmpi ne, %convert_element_type3A_260, %cond3A_261 : i32
      scf.if %cond3A_262 {
        %add3A_389 = arith.constant 96 : i32
        %add3A_390 = arith.addi %mul3A_253, %add3A_389 : i32
        %dma_start3A_391 = tpu.memref_slice %arg10[%add3A_390] : memref<512xi32, #tpu.memory_space<vmem>> -> memref<32xi32, #tpu.memory_space<vmem>>
        %dma_start3A_392 = arith.constant 0 : i32
        %dma_start3A_393 = arith.constant 0 : i32
        %dma_start3A_394 = tpu.memref_slice %arg5[%dma_start3A_392, %dma_start3A_393] : memref<100000x128xf32, #tpu.memory_space<hbm>> -> memref<100000x128xf32, #tpu.memory_space<hbm>>
        tpu.enqueue_indirect_dma source(%dma_start3A_394 : memref<100000x128xf32, #tpu.memory_space<hbm>>) target(%arg19 : memref<32x128xf32, #tpu.memory_space<vmem>>) offsets(%dma_start3A_391 : memref<32xi32, #tpu.memory_space<vmem>>) semaphore(%arg39 : memref<!tpu.dma_semaphore, #tpu.memory_space<semaphore_mem>>)
        %dma_start3A_395 = tpu.memref_slice %arg10[%add3A_390] : memref<512xi32, #tpu.memory_space<vmem>> -> memref<32xi32, #tpu.memory_space<vmem>>
        %dma_start3A_396 = arith.constant 0 : i32
        %dma_start3A_397 = arith.constant 0 : i32
        %dma_start3A_398 = tpu.memref_slice %arg6[%dma_start3A_396, %dma_start3A_397] : memref<100000x128xf32, #tpu.memory_space<hbm>> -> memref<100000x128xf32, #tpu.memory_space<hbm>>
        tpu.enqueue_indirect_dma source(%dma_start3A_398 : memref<100000x128xf32, #tpu.memory_space<hbm>>) target(%arg20 : memref<32x128xf32, #tpu.memory_space<vmem>>) offsets(%dma_start3A_395 : memref<32xi32, #tpu.memory_space<vmem>>) semaphore(%arg39 : memref<!tpu.dma_semaphore, #tpu.memory_space<semaphore_mem>>)
        %dma_start3A_399 = tpu.memref_slice %arg12[%add3A_390] : memref<512xi32, #tpu.memory_space<vmem>> -> memref<32xi32, #tpu.memory_space<vmem>>
        %dma_start3A_400 = arith.constant 0 : i32
        %dma_start3A_401 = arith.constant 0 : i32
        %dma_start3A_402 = tpu.memref_slice %arg5[%dma_start3A_400, %dma_start3A_401] : memref<100000x128xf32, #tpu.memory_space<hbm>> -> memref<100000x128xf32, #tpu.memory_space<hbm>>
        tpu.enqueue_indirect_dma source(%dma_start3A_402 : memref<100000x128xf32, #tpu.memory_space<hbm>>) target(%arg21 : memref<32x128xf32, #tpu.memory_space<vmem>>) offsets(%dma_start3A_399 : memref<32xi32, #tpu.memory_space<vmem>>) semaphore(%arg39 : memref<!tpu.dma_semaphore, #tpu.memory_space<semaphore_mem>>)
        %dma_start3A_403 = tpu.memref_slice %arg12[%add3A_390] : memref<512xi32, #tpu.memory_space<vmem>> -> memref<32xi32, #tpu.memory_space<vmem>>
        %dma_start3A_404 = arith.constant 0 : i32
        %dma_start3A_405 = arith.constant 0 : i32
        %dma_start3A_406 = tpu.memref_slice %arg6[%dma_start3A_404, %dma_start3A_405] : memref<100000x128xf32, #tpu.memory_space<hbm>> -> memref<100000x128xf32, #tpu.memory_space<hbm>>
        tpu.enqueue_indirect_dma source(%dma_start3A_406 : memref<100000x128xf32, #tpu.memory_space<hbm>>) target(%arg22 : memref<32x128xf32, #tpu.memory_space<vmem>>) offsets(%dma_start3A_403 : memref<32xi32, #tpu.memory_space<vmem>>) semaphore(%arg39 : memref<!tpu.dma_semaphore, #tpu.memory_space<semaphore_mem>>)
        %dma_start3A_407 = tpu.memref_slice %arg11[%add3A_390] : memref<512xi32, #tpu.memory_space<vmem>> -> memref<32xi32, #tpu.memory_space<vmem>>
        %dma_start3A_408 = arith.constant 0 : i32
        %dma_start3A_409 = arith.constant 0 : i32
        %dma_start3A_410 = tpu.memref_slice %arg7[%dma_start3A_408, %dma_start3A_409] : memref<100000x128xf32, #tpu.memory_space<hbm>> -> memref<100000x128xf32, #tpu.memory_space<hbm>>
        tpu.enqueue_indirect_dma source(%dma_start3A_410 : memref<100000x128xf32, #tpu.memory_space<hbm>>) target(%arg23 : memref<32x128xf32, #tpu.memory_space<vmem>>) offsets(%dma_start3A_407 : memref<32xi32, #tpu.memory_space<vmem>>) semaphore(%arg39 : memref<!tpu.dma_semaphore, #tpu.memory_space<semaphore_mem>>)
        %dma_start3A_411 = tpu.memref_slice %arg11[%add3A_390] : memref<512xi32, #tpu.memory_space<vmem>> -> memref<32xi32, #tpu.memory_space<vmem>>
        %dma_start3A_412 = arith.constant 0 : i32
        %dma_start3A_413 = arith.constant 0 : i32
        %dma_start3A_414 = tpu.memref_slice %arg8[%dma_start3A_412, %dma_start3A_413] : memref<100000x128xf32, #tpu.memory_space<hbm>> -> memref<100000x128xf32, #tpu.memory_space<hbm>>
        tpu.enqueue_indirect_dma source(%dma_start3A_414 : memref<100000x128xf32, #tpu.memory_space<hbm>>) target(%arg24 : memref<32x128xf32, #tpu.memory_space<vmem>>) offsets(%dma_start3A_411 : memref<32xi32, #tpu.memory_space<vmem>>) semaphore(%arg39 : memref<!tpu.dma_semaphore, #tpu.memory_space<semaphore_mem>>)
      } else {
      }
      %dma_wait3A_263 = arith.constant 0 : i32
      %dma_wait3A_264 = tpu.memref_slice %arg10[%dma_wait3A_263] : memref<512xi32, #tpu.memory_space<vmem>> -> memref<32xi32, #tpu.memory_space<vmem>>
      %dma_wait3A_265 = arith.constant 0 : i32
      %dma_wait3A_266 = arith.constant 0 : i32
      %dma_wait3A_267 = tpu.memref_slice %arg5[%dma_wait3A_265, %dma_wait3A_266] : memref<100000x128xf32, #tpu.memory_space<hbm>> -> memref<100000x128xf32, #tpu.memory_space<hbm>>
      tpu.wait_indirect_dma semaphore(%arg40 : memref<!tpu.dma_semaphore, #tpu.memory_space<semaphore_mem>>) src(%dma_wait3A_267 : memref<100000x128xf32, #tpu.memory_space<hbm>>) dst(%arg25 : memref<32x128xf32, #tpu.memory_space<vmem>>)
      %dma_wait3A_268 = arith.constant 0 : i32
      %dma_wait3A_269 = tpu.memref_slice %arg10[%dma_wait3A_268] : memref<512xi32, #tpu.memory_space<vmem>> -> memref<32xi32, #tpu.memory_space<vmem>>
      %dma_wait3A_270 = arith.constant 0 : i32
      %dma_wait3A_271 = arith.constant 0 : i32
      %dma_wait3A_272 = tpu.memref_slice %arg5[%dma_wait3A_270, %dma_wait3A_271] : memref<100000x128xf32, #tpu.memory_space<hbm>> -> memref<100000x128xf32, #tpu.memory_space<hbm>>
      tpu.wait_indirect_dma semaphore(%arg40 : memref<!tpu.dma_semaphore, #tpu.memory_space<semaphore_mem>>) src(%dma_wait3A_272 : memref<100000x128xf32, #tpu.memory_space<hbm>>) dst(%arg26 : memref<32x128xf32, #tpu.memory_space<vmem>>)
      %dma_wait3A_273 = arith.constant 0 : i32
      %dma_wait3A_274 = tpu.memref_slice %arg10[%dma_wait3A_273] : memref<512xi32, #tpu.memory_space<vmem>> -> memref<32xi32, #tpu.memory_space<vmem>>
      %dma_wait3A_275 = arith.constant 0 : i32
      %dma_wait3A_276 = arith.constant 0 : i32
      %dma_wait3A_277 = tpu.memref_slice %arg5[%dma_wait3A_275, %dma_wait3A_276] : memref<100000x128xf32, #tpu.memory_space<hbm>> -> memref<100000x128xf32, #tpu.memory_space<hbm>>
      tpu.wait_indirect_dma semaphore(%arg40 : memref<!tpu.dma_semaphore, #tpu.memory_space<semaphore_mem>>) src(%dma_wait3A_277 : memref<100000x128xf32, #tpu.memory_space<hbm>>) dst(%arg27 : memref<32x128xf32, #tpu.memory_space<vmem>>)
      %dma_wait3A_278 = arith.constant 0 : i32
      %dma_wait3A_279 = tpu.memref_slice %arg10[%dma_wait3A_278] : memref<512xi32, #tpu.memory_space<vmem>> -> memref<32xi32, #tpu.memory_space<vmem>>
      %dma_wait3A_280 = arith.constant 0 : i32
      %dma_wait3A_281 = arith.constant 0 : i32
      %dma_wait3A_282 = tpu.memref_slice %arg5[%dma_wait3A_280, %dma_wait3A_281] : memref<100000x128xf32, #tpu.memory_space<hbm>> -> memref<100000x128xf32, #tpu.memory_space<hbm>>
      tpu.wait_indirect_dma semaphore(%arg40 : memref<!tpu.dma_semaphore, #tpu.memory_space<semaphore_mem>>) src(%dma_wait3A_282 : memref<100000x128xf32, #tpu.memory_space<hbm>>) dst(%arg28 : memref<32x128xf32, #tpu.memory_space<vmem>>)
      %dma_wait3A_283 = arith.constant 0 : i32
      %dma_wait3A_284 = tpu.memref_slice %arg10[%dma_wait3A_283] : memref<512xi32, #tpu.memory_space<vmem>> -> memref<32xi32, #tpu.memory_space<vmem>>
      %dma_wait3A_285 = arith.constant 0 : i32
      %dma_wait3A_286 = arith.constant 0 : i32
      %dma_wait3A_287 = tpu.memref_slice %arg5[%dma_wait3A_285, %dma_wait3A_286] : memref<100000x128xf32, #tpu.memory_space<hbm>> -> memref<100000x128xf32, #tpu.memory_space<hbm>>
      tpu.wait_indirect_dma semaphore(%arg40 : memref<!tpu.dma_semaphore, #tpu.memory_space<semaphore_mem>>) src(%dma_wait3A_287 : memref<100000x128xf32, #tpu.memory_space<hbm>>) dst(%arg29 : memref<32x128xf32, #tpu.memory_space<vmem>>)
      %dma_wait3A_288 = arith.constant 0 : i32
      %dma_wait3A_289 = tpu.memref_slice %arg10[%dma_wait3A_288] : memref<512xi32, #tpu.memory_space<vmem>> -> memref<32xi32, #tpu.memory_space<vmem>>
      %dma_wait3A_290 = arith.constant 0 : i32
      %dma_wait3A_291 = arith.constant 0 : i32
      %dma_wait3A_292 = tpu.memref_slice %arg5[%dma_wait3A_290, %dma_wait3A_291] : memref<100000x128xf32, #tpu.memory_space<hbm>> -> memref<100000x128xf32, #tpu.memory_space<hbm>>
      tpu.wait_indirect_dma semaphore(%arg40 : memref<!tpu.dma_semaphore, #tpu.memory_space<semaphore_mem>>) src(%dma_wait3A_292 : memref<100000x128xf32, #tpu.memory_space<hbm>>) dst(%arg30 : memref<32x128xf32, #tpu.memory_space<vmem>>)
      %scan3A_293 = arith.constant 0 : i32
      %scan3A_294 = arith.constant 128 : i32
      %scan3A_295 = arith.addi %scan3A_293, %scan3A_294 : i32
      %scan3A_296 = arith.constant 1 : i32
      %scan3A_297:2 = scf.for %scan3A_389 = %scan3A_293 to %scan3A_295 step %scan3A_296 iter_args(%scan3A_390 = %broadcast_in_dim3A_16, %scan3A_391 = %broadcast_in_dim3A_16) -> (vector<16xf32>, vector<16xf32>)  : i32 {
        %add3A_392 = vector.broadcast %scan3A_389 : i32 to vector<16xi32>
        %add3A_393 = arith.addi %add3A_392, %mul3A_15 : vector<16xi32>
        %and3A = arith.constant 127 : i32
        %and3A_394 = vector.broadcast %and3A : i32 to vector<16xi32>
        %and3A_395 = arith.andi %add3A_393, %and3A_394 : vector<16xi32>
        %add3A_396 = arith.constant 0 : i32
        %add3A_397 = vector.broadcast %add3A_396 : i32 to vector<16xi32>
        %add3A_398 = arith.addi %iota3A, %add3A_397 : vector<16xi32>
        %gather3A = tpu.vector_load_idx %arg25[%add3A_398, %and3A_395] : memref<32x128xf32, #tpu.memory_space<vmem>>[vector<16xi32>, vector<16xi32>], vector<16xf32>,
        %gather3A_399 = tpu.vector_load_idx %arg26[%add3A_398, %and3A_395] : memref<32x128xf32, #tpu.memory_space<vmem>>[vector<16xi32>, vector<16xi32>], vector<16xf32>,
        %gather3A_400 = tpu.vector_load_idx %arg27[%add3A_398, %and3A_395] : memref<32x128xf32, #tpu.memory_space<vmem>>[vector<16xi32>, vector<16xi32>], vector<16xf32>,
        %gather3A_401 = tpu.vector_load_idx %arg28[%add3A_398, %and3A_395] : memref<32x128xf32, #tpu.memory_space<vmem>>[vector<16xi32>, vector<16xi32>], vector<16xf32>,
        %gather3A_402 = tpu.vector_load_idx %arg29[%add3A_398, %and3A_395] : memref<32x128xf32, #tpu.memory_space<vmem>>[vector<16xi32>, vector<16xi32>], vector<16xf32>,
        %gather3A_403 = tpu.vector_load_idx %arg30[%add3A_398, %and3A_395] : memref<32x128xf32, #tpu.memory_space<vmem>>[vector<16xi32>, vector<16xi32>], vector<16xf32>,
        %add3A_404 = arith.addf %gather3A_401, %gather3A_399 : vector<16xf32>
        %sub3A_405 = arith.subf %gather3A_400, %gather3A : vector<16xf32>
        %sub3A_406 = arith.subf %gather3A_402, %sub3A_405 : vector<16xf32>
        %mul3A_407 = arith.mulf %sub3A_406, %sub3A_406 : vector<16xf32>
        %add3A_408 = arith.addf %add3A_404, %mul3A_407 : vector<16xf32>
        %mul3A_409 = arith.mulf %add3A_408, %add3A_404 : vector<16xf32>
        %add3A_410 = arith.addf %gather3A_403, %mul3A_407 : vector<16xf32>
        %mul3A_411 = arith.mulf %add3A_410, %gather3A_403 : vector<16xf32>
        %add3A_412 = arith.addf %mul3A_409, %mul3A_411 : vector<16xf32>
        %mul3A_413 = arith.mulf %gather3A_403, %add3A_404 : vector<16xf32>
        %div3A = arith.divf %add3A_412, %mul3A_413 : vector<16xf32>
        %add3A_414 = arith.addf %scan3A_390, %div3A : vector<16xf32>
        %add3A_415 = arith.constant 16 : i32
        %add3A_416 = vector.broadcast %add3A_415 : i32 to vector<16xi32>
        %add3A_417 = arith.addi %iota3A, %add3A_416 : vector<16xi32>
        %gather3A_418 = tpu.vector_load_idx %arg25[%add3A_417, %and3A_395] : memref<32x128xf32, #tpu.memory_space<vmem>>[vector<16xi32>, vector<16xi32>], vector<16xf32>,
        %gather3A_419 = tpu.vector_load_idx %arg26[%add3A_417, %and3A_395] : memref<32x128xf32, #tpu.memory_space<vmem>>[vector<16xi32>, vector<16xi32>], vector<16xf32>,
        %gather3A_420 = tpu.vector_load_idx %arg27[%add3A_417, %and3A_395] : memref<32x128xf32, #tpu.memory_space<vmem>>[vector<16xi32>, vector<16xi32>], vector<16xf32>,
        %gather3A_421 = tpu.vector_load_idx %arg28[%add3A_417, %and3A_395] : memref<32x128xf32, #tpu.memory_space<vmem>>[vector<16xi32>, vector<16xi32>], vector<16xf32>,
        %gather3A_422 = tpu.vector_load_idx %arg29[%add3A_417, %and3A_395] : memref<32x128xf32, #tpu.memory_space<vmem>>[vector<16xi32>, vector<16xi32>], vector<16xf32>,
        %gather3A_423 = tpu.vector_load_idx %arg30[%add3A_417, %and3A_395] : memref<32x128xf32, #tpu.memory_space<vmem>>[vector<16xi32>, vector<16xi32>], vector<16xf32>,
        %add3A_424 = arith.addf %gather3A_421, %gather3A_419 : vector<16xf32>
        %sub3A_425 = arith.subf %gather3A_420, %gather3A_418 : vector<16xf32>
        %sub3A_426 = arith.subf %gather3A_422, %sub3A_425 : vector<16xf32>
        %mul3A_427 = arith.mulf %sub3A_426, %sub3A_426 : vector<16xf32>
        %add3A_428 = arith.addf %add3A_424, %mul3A_427 : vector<16xf32>
        %mul3A_429 = arith.mulf %add3A_428, %add3A_424 : vector<16xf32>
        %add3A_430 = arith.addf %gather3A_423, %mul3A_427 : vector<16xf32>
        %mul3A_431 = arith.mulf %add3A_430, %gather3A_423 : vector<16xf32>
        %add3A_432 = arith.addf %mul3A_429, %mul3A_431 : vector<16xf32>
        %mul3A_433 = arith.mulf %gather3A_423, %add3A_424 : vector<16xf32>
        %div3A_434 = arith.divf %add3A_432, %mul3A_433 : vector<16xf32>
        %add3A_435 = arith.addf %scan3A_391, %div3A_434 : vector<16xf32>
        scf.yield %add3A_414, %add3A_435 : vector<16xf32>, vector<16xf32>
      }
      %scan3A_298 = arith.constant 128 : i32
      %sub3A_299 = arith.constant 2.560000e+02 : f32
      %sub3A_300 = vector.broadcast %sub3A_299 : f32 to vector<16xf32>
      %sub3A_301 = arith.subf %scan3A_297#0, %sub3A_300 : vector<16xf32>
      %mul3A_302 = arith.constant 2.500000e-01 : f32
      %mul3A_303 = vector.broadcast %mul3A_302 : f32 to vector<16xf32>
      %mul3A_304 = arith.mulf %sub3A_301, %mul3A_303 : vector<16xf32>
      %add3A_305 = arith.constant 0 : i32
      %add3A_306 = arith.addi %mul3A_253, %add3A_305 : i32
      %swap3A_307 = arith.index_cast %add3A_306 : i32 to index
      %swap3A_308 = tpu.vector_load %arg37[%swap3A_307] {strides = array<i32>} : memref<512xf32, #tpu.memory_space<vmem>>, vector<16xf32>,
      tpu.vector_store %arg37[%swap3A_307], %mul3A_304 {strides = array<i32>} : memref<512xf32, #tpu.memory_space<vmem>>, vector<16xf32>,
      %sub3A_309 = arith.constant 2.560000e+02 : f32
      %sub3A_310 = vector.broadcast %sub3A_309 : f32 to vector<16xf32>
      %sub3A_311 = arith.subf %scan3A_297#1, %sub3A_310 : vector<16xf32>
      %mul3A_312 = arith.constant 2.500000e-01 : f32
      %mul3A_313 = vector.broadcast %mul3A_312 : f32 to vector<16xf32>
      %mul3A_314 = arith.mulf %sub3A_311, %mul3A_313 : vector<16xf32>
      %add3A_315 = arith.constant 16 : i32
      %add3A_316 = arith.addi %mul3A_253, %add3A_315 : i32
      %swap3A_317 = arith.index_cast %add3A_316 : i32 to index
      %swap3A_318 = tpu.vector_load %arg37[%swap3A_317] {strides = array<i32>} : memref<512xf32, #tpu.memory_space<vmem>>, vector<16xf32>,
      tpu.vector_store %arg37[%swap3A_317], %mul3A_314 {strides = array<i32>} : memref<512xf32, #tpu.memory_space<vmem>>, vector<16xf32>,
      %add3A_319 = arith.constant 3 : i32
      %add3A_320 = arith.addi %mul3A_116, %add3A_319 : i32
      %mul3A_321 = arith.constant 32 : i32
      %mul3A_322 = arith.muli %add3A_320, %mul3A_321 : i32
      %add3A_323 = arith.constant 4 : i32
      %add3A_324 = arith.addi %add3A_320, %add3A_323 : i32
      %sub3A_325 = arith.constant 1 : i32
      %sub3A_326 = arith.subi %add3A_324, %sub3A_325 : i32
      %lt3A_327 = arith.constant 16 : i32
      %lt3A_328 = arith.cmpi slt, %sub3A_326, %lt3A_327 : i32
      %convert_element_type3A_329 = arith.extui %lt3A_328 : i1 to i32
      %cond3A_330 = arith.constant 0 : i32
      %cond3A_331 = arith.cmpi ne, %convert_element_type3A_329, %cond3A_330 : i32
      scf.if %cond3A_331 {
        %add3A_389 = arith.constant 96 : i32
        %add3A_390 = arith.addi %mul3A_322, %add3A_389 : i32
        %dma_start3A_391 = tpu.memref_slice %arg10[%add3A_390] : memref<512xi32, #tpu.memory_space<vmem>> -> memref<32xi32, #tpu.memory_space<vmem>>
        %dma_start3A_392 = arith.constant 0 : i32
        %dma_start3A_393 = arith.constant 0 : i32
        %dma_start3A_394 = tpu.memref_slice %arg5[%dma_start3A_392, %dma_start3A_393] : memref<100000x128xf32, #tpu.memory_space<hbm>> -> memref<100000x128xf32, #tpu.memory_space<hbm>>
        tpu.enqueue_indirect_dma source(%dma_start3A_394 : memref<100000x128xf32, #tpu.memory_space<hbm>>) target(%arg25 : memref<32x128xf32, #tpu.memory_space<vmem>>) offsets(%dma_start3A_391 : memref<32xi32, #tpu.memory_space<vmem>>) semaphore(%arg40 : memref<!tpu.dma_semaphore, #tpu.memory_space<semaphore_mem>>)
        %dma_start3A_395 = tpu.memref_slice %arg10[%add3A_390] : memref<512xi32, #tpu.memory_space<vmem>> -> memref<32xi32, #tpu.memory_space<vmem>>
        %dma_start3A_396 = arith.constant 0 : i32
        %dma_start3A_397 = arith.constant 0 : i32
        %dma_start3A_398 = tpu.memref_slice %arg6[%dma_start3A_396, %dma_start3A_397] : memref<100000x128xf32, #tpu.memory_space<hbm>> -> memref<100000x128xf32, #tpu.memory_space<hbm>>
        tpu.enqueue_indirect_dma source(%dma_start3A_398 : memref<100000x128xf32, #tpu.memory_space<hbm>>) target(%arg26 : memref<32x128xf32, #tpu.memory_space<vmem>>) offsets(%dma_start3A_395 : memref<32xi32, #tpu.memory_space<vmem>>) semaphore(%arg40 : memref<!tpu.dma_semaphore, #tpu.memory_space<semaphore_mem>>)
        %dma_start3A_399 = tpu.memref_slice %arg12[%add3A_390] : memref<512xi32, #tpu.memory_space<vmem>> -> memref<32xi32, #tpu.memory_space<vmem>>
        %dma_start3A_400 = arith.constant 0 : i32
        %dma_start3A_401 = arith.constant 0 : i32
        %dma_start3A_402 = tpu.memref_slice %arg5[%dma_start3A_400, %dma_start3A_401] : memref<100000x128xf32, #tpu.memory_space<hbm>> -> memref<100000x128xf32, #tpu.memory_space<hbm>>
        tpu.enqueue_indirect_dma source(%dma_start3A_402 : memref<100000x128xf32, #tpu.memory_space<hbm>>) target(%arg27 : memref<32x128xf32, #tpu.memory_space<vmem>>) offsets(%dma_start3A_399 : memref<32xi32, #tpu.memory_space<vmem>>) semaphore(%arg40 : memref<!tpu.dma_semaphore, #tpu.memory_space<semaphore_mem>>)
        %dma_start3A_403 = tpu.memref_slice %arg12[%add3A_390] : memref<512xi32, #tpu.memory_space<vmem>> -> memref<32xi32, #tpu.memory_space<vmem>>
        %dma_start3A_404 = arith.constant 0 : i32
        %dma_start3A_405 = arith.constant 0 : i32
        %dma_start3A_406 = tpu.memref_slice %arg6[%dma_start3A_404, %dma_start3A_405] : memref<100000x128xf32, #tpu.memory_space<hbm>> -> memref<100000x128xf32, #tpu.memory_space<hbm>>
        tpu.enqueue_indirect_dma source(%dma_start3A_406 : memref<100000x128xf32, #tpu.memory_space<hbm>>) target(%arg28 : memref<32x128xf32, #tpu.memory_space<vmem>>) offsets(%dma_start3A_403 : memref<32xi32, #tpu.memory_space<vmem>>) semaphore(%arg40 : memref<!tpu.dma_semaphore, #tpu.memory_space<semaphore_mem>>)
        %dma_start3A_407 = tpu.memref_slice %arg11[%add3A_390] : memref<512xi32, #tpu.memory_space<vmem>> -> memref<32xi32, #tpu.memory_space<vmem>>
        %dma_start3A_408 = arith.constant 0 : i32
        %dma_start3A_409 = arith.constant 0 : i32
        %dma_start3A_410 = tpu.memref_slice %arg7[%dma_start3A_408, %dma_start3A_409] : memref<100000x128xf32, #tpu.memory_space<hbm>> -> memref<100000x128xf32, #tpu.memory_space<hbm>>
        tpu.enqueue_indirect_dma source(%dma_start3A_410 : memref<100000x128xf32, #tpu.memory_space<hbm>>) target(%arg29 : memref<32x128xf32, #tpu.memory_space<vmem>>) offsets(%dma_start3A_407 : memref<32xi32, #tpu.memory_space<vmem>>) semaphore(%arg40 : memref<!tpu.dma_semaphore, #tpu.memory_space<semaphore_mem>>)
        %dma_start3A_411 = tpu.memref_slice %arg11[%add3A_390] : memref<512xi32, #tpu.memory_space<vmem>> -> memref<32xi32, #tpu.memory_space<vmem>>
        %dma_start3A_412 = arith.constant 0 : i32
        %dma_start3A_413 = arith.constant 0 : i32
        %dma_start3A_414 = tpu.memref_slice %arg8[%dma_start3A_412, %dma_start3A_413] : memref<100000x128xf32, #tpu.memory_space<hbm>> -> memref<100000x128xf32, #tpu.memory_space<hbm>>
        tpu.enqueue_indirect_dma source(%dma_start3A_414 : memref<100000x128xf32, #tpu.memory_space<hbm>>) target(%arg30 : memref<32x128xf32, #tpu.memory_space<vmem>>) offsets(%dma_start3A_411 : memref<32xi32, #tpu.memory_space<vmem>>) semaphore(%arg40 : memref<!tpu.dma_semaphore, #tpu.memory_space<semaphore_mem>>)
      } else {
      }
      %dma_wait3A_332 = arith.constant 0 : i32
      %dma_wait3A_333 = tpu.memref_slice %arg10[%dma_wait3A_332] : memref<512xi32, #tpu.memory_space<vmem>> -> memref<32xi32, #tpu.memory_space<vmem>>
      %dma_wait3A_334 = arith.constant 0 : i32
      %dma_wait3A_335 = arith.constant 0 : i32
      %dma_wait3A_336 = tpu.memref_slice %arg5[%dma_wait3A_334, %dma_wait3A_335] : memref<100000x128xf32, #tpu.memory_space<hbm>> -> memref<100000x128xf32, #tpu.memory_space<hbm>>
      tpu.wait_indirect_dma semaphore(%arg41 : memref<!tpu.dma_semaphore, #tpu.memory_space<semaphore_mem>>) src(%dma_wait3A_336 : memref<100000x128xf32, #tpu.memory_space<hbm>>) dst(%arg31 : memref<32x128xf32, #tpu.memory_space<vmem>>)
      %dma_wait3A_337 = arith.constant 0 : i32
      %dma_wait3A_338 = tpu.memref_slice %arg10[%dma_wait3A_337] : memref<512xi32, #tpu.memory_space<vmem>> -> memref<32xi32, #tpu.memory_space<vmem>>
      %dma_wait3A_339 = arith.constant 0 : i32
      %dma_wait3A_340 = arith.constant 0 : i32
      %dma_wait3A_341 = tpu.memref_slice %arg5[%dma_wait3A_339, %dma_wait3A_340] : memref<100000x128xf32, #tpu.memory_space<hbm>> -> memref<100000x128xf32, #tpu.memory_space<hbm>>
      tpu.wait_indirect_dma semaphore(%arg41 : memref<!tpu.dma_semaphore, #tpu.memory_space<semaphore_mem>>) src(%dma_wait3A_341 : memref<100000x128xf32, #tpu.memory_space<hbm>>) dst(%arg32 : memref<32x128xf32, #tpu.memory_space<vmem>>)
      %dma_wait3A_342 = arith.constant 0 : i32
      %dma_wait3A_343 = tpu.memref_slice %arg10[%dma_wait3A_342] : memref<512xi32, #tpu.memory_space<vmem>> -> memref<32xi32, #tpu.memory_space<vmem>>
      %dma_wait3A_344 = arith.constant 0 : i32
      %dma_wait3A_345 = arith.constant 0 : i32
      %dma_wait3A_346 = tpu.memref_slice %arg5[%dma_wait3A_344, %dma_wait3A_345] : memref<100000x128xf32, #tpu.memory_space<hbm>> -> memref<100000x128xf32, #tpu.memory_space<hbm>>
      tpu.wait_indirect_dma semaphore(%arg41 : memref<!tpu.dma_semaphore, #tpu.memory_space<semaphore_mem>>) src(%dma_wait3A_346 : memref<100000x128xf32, #tpu.memory_space<hbm>>) dst(%arg33 : memref<32x128xf32, #tpu.memory_space<vmem>>)
      %dma_wait3A_347 = arith.constant 0 : i32
      %dma_wait3A_348 = tpu.memref_slice %arg10[%dma_wait3A_347] : memref<512xi32, #tpu.memory_space<vmem>> -> memref<32xi32, #tpu.memory_space<vmem>>
      %dma_wait3A_349 = arith.constant 0 : i32
      %dma_wait3A_350 = arith.constant 0 : i32
      %dma_wait3A_351 = tpu.memref_slice %arg5[%dma_wait3A_349, %dma_wait3A_350] : memref<100000x128xf32, #tpu.memory_space<hbm>> -> memref<100000x128xf32, #tpu.memory_space<hbm>>
      tpu.wait_indirect_dma semaphore(%arg41 : memref<!tpu.dma_semaphore, #tpu.memory_space<semaphore_mem>>) src(%dma_wait3A_351 : memref<100000x128xf32, #tpu.memory_space<hbm>>) dst(%arg34 : memref<32x128xf32, #tpu.memory_space<vmem>>)
      %dma_wait3A_352 = arith.constant 0 : i32
      %dma_wait3A_353 = tpu.memref_slice %arg10[%dma_wait3A_352] : memref<512xi32, #tpu.memory_space<vmem>> -> memref<32xi32, #tpu.memory_space<vmem>>
      %dma_wait3A_354 = arith.constant 0 : i32
      %dma_wait3A_355 = arith.constant 0 : i32
      %dma_wait3A_356 = tpu.memref_slice %arg5[%dma_wait3A_354, %dma_wait3A_355] : memref<100000x128xf32, #tpu.memory_space<hbm>> -> memref<100000x128xf32, #tpu.memory_space<hbm>>
      tpu.wait_indirect_dma semaphore(%arg41 : memref<!tpu.dma_semaphore, #tpu.memory_space<semaphore_mem>>) src(%dma_wait3A_356 : memref<100000x128xf32, #tpu.memory_space<hbm>>) dst(%arg35 : memref<32x128xf32, #tpu.memory_space<vmem>>)
      %dma_wait3A_357 = arith.constant 0 : i32
      %dma_wait3A_358 = tpu.memref_slice %arg10[%dma_wait3A_357] : memref<512xi32, #tpu.memory_space<vmem>> -> memref<32xi32, #tpu.memory_space<vmem>>
      %dma_wait3A_359 = arith.constant 0 : i32
      %dma_wait3A_360 = arith.constant 0 : i32
      %dma_wait3A_361 = tpu.memref_slice %arg5[%dma_wait3A_359, %dma_wait3A_360] : memref<100000x128xf32, #tpu.memory_space<hbm>> -> memref<100000x128xf32, #tpu.memory_space<hbm>>
      tpu.wait_indirect_dma semaphore(%arg41 : memref<!tpu.dma_semaphore, #tpu.memory_space<semaphore_mem>>) src(%dma_wait3A_361 : memref<100000x128xf32, #tpu.memory_space<hbm>>) dst(%arg36 : memref<32x128xf32, #tpu.memory_space<vmem>>)
      %scan3A_362 = arith.constant 0 : i32
      %scan3A_363 = arith.constant 128 : i32
      %scan3A_364 = arith.addi %scan3A_362, %scan3A_363 : i32
      %scan3A_365 = arith.constant 1 : i32
      %scan3A_366:2 = scf.for %scan3A_389 = %scan3A_362 to %scan3A_364 step %scan3A_365 iter_args(%scan3A_390 = %broadcast_in_dim3A_16, %scan3A_391 = %broadcast_in_dim3A_16) -> (vector<16xf32>, vector<16xf32>)  : i32 {
        %add3A_392 = vector.broadcast %scan3A_389 : i32 to vector<16xi32>
        %add3A_393 = arith.addi %add3A_392, %mul3A_15 : vector<16xi32>
        %and3A = arith.constant 127 : i32
        %and3A_394 = vector.broadcast %and3A : i32 to vector<16xi32>
        %and3A_395 = arith.andi %add3A_393, %and3A_394 : vector<16xi32>
        %add3A_396 = arith.constant 0 : i32
        %add3A_397 = vector.broadcast %add3A_396 : i32 to vector<16xi32>
        %add3A_398 = arith.addi %iota3A, %add3A_397 : vector<16xi32>
        %gather3A = tpu.vector_load_idx %arg31[%add3A_398, %and3A_395] : memref<32x128xf32, #tpu.memory_space<vmem>>[vector<16xi32>, vector<16xi32>], vector<16xf32>,
        %gather3A_399 = tpu.vector_load_idx %arg32[%add3A_398, %and3A_395] : memref<32x128xf32, #tpu.memory_space<vmem>>[vector<16xi32>, vector<16xi32>], vector<16xf32>,
        %gather3A_400 = tpu.vector_load_idx %arg33[%add3A_398, %and3A_395] : memref<32x128xf32, #tpu.memory_space<vmem>>[vector<16xi32>, vector<16xi32>], vector<16xf32>,
        %gather3A_401 = tpu.vector_load_idx %arg34[%add3A_398, %and3A_395] : memref<32x128xf32, #tpu.memory_space<vmem>>[vector<16xi32>, vector<16xi32>], vector<16xf32>,
        %gather3A_402 = tpu.vector_load_idx %arg35[%add3A_398, %and3A_395] : memref<32x128xf32, #tpu.memory_space<vmem>>[vector<16xi32>, vector<16xi32>], vector<16xf32>,
        %gather3A_403 = tpu.vector_load_idx %arg36[%add3A_398, %and3A_395] : memref<32x128xf32, #tpu.memory_space<vmem>>[vector<16xi32>, vector<16xi32>], vector<16xf32>,
        %add3A_404 = arith.addf %gather3A_401, %gather3A_399 : vector<16xf32>
        %sub3A_405 = arith.subf %gather3A_400, %gather3A : vector<16xf32>
        %sub3A_406 = arith.subf %gather3A_402, %sub3A_405 : vector<16xf32>
        %mul3A_407 = arith.mulf %sub3A_406, %sub3A_406 : vector<16xf32>
        %add3A_408 = arith.addf %add3A_404, %mul3A_407 : vector<16xf32>
        %mul3A_409 = arith.mulf %add3A_408, %add3A_404 : vector<16xf32>
        %add3A_410 = arith.addf %gather3A_403, %mul3A_407 : vector<16xf32>
        %mul3A_411 = arith.mulf %add3A_410, %gather3A_403 : vector<16xf32>
        %add3A_412 = arith.addf %mul3A_409, %mul3A_411 : vector<16xf32>
        %mul3A_413 = arith.mulf %gather3A_403, %add3A_404 : vector<16xf32>
        %div3A = arith.divf %add3A_412, %mul3A_413 : vector<16xf32>
        %add3A_414 = arith.addf %scan3A_390, %div3A : vector<16xf32>
        %add3A_415 = arith.constant 16 : i32
        %add3A_416 = vector.broadcast %add3A_415 : i32 to vector<16xi32>
        %add3A_417 = arith.addi %iota3A, %add3A_416 : vector<16xi32>
        %gather3A_418 = tpu.vector_load_idx %arg31[%add3A_417, %and3A_395] : memref<32x128xf32, #tpu.memory_space<vmem>>[vector<16xi32>, vector<16xi32>], vector<16xf32>,
        %gather3A_419 = tpu.vector_load_idx %arg32[%add3A_417, %and3A_395] : memref<32x128xf32, #tpu.memory_space<vmem>>[vector<16xi32>, vector<16xi32>], vector<16xf32>,
        %gather3A_420 = tpu.vector_load_idx %arg33[%add3A_417, %and3A_395] : memref<32x128xf32, #tpu.memory_space<vmem>>[vector<16xi32>, vector<16xi32>], vector<16xf32>,
        %gather3A_421 = tpu.vector_load_idx %arg34[%add3A_417, %and3A_395] : memref<32x128xf32, #tpu.memory_space<vmem>>[vector<16xi32>, vector<16xi32>], vector<16xf32>,
        %gather3A_422 = tpu.vector_load_idx %arg35[%add3A_417, %and3A_395] : memref<32x128xf32, #tpu.memory_space<vmem>>[vector<16xi32>, vector<16xi32>], vector<16xf32>,
        %gather3A_423 = tpu.vector_load_idx %arg36[%add3A_417, %and3A_395] : memref<32x128xf32, #tpu.memory_space<vmem>>[vector<16xi32>, vector<16xi32>], vector<16xf32>,
        %add3A_424 = arith.addf %gather3A_421, %gather3A_419 : vector<16xf32>
        %sub3A_425 = arith.subf %gather3A_420, %gather3A_418 : vector<16xf32>
        %sub3A_426 = arith.subf %gather3A_422, %sub3A_425 : vector<16xf32>
        %mul3A_427 = arith.mulf %sub3A_426, %sub3A_426 : vector<16xf32>
        %add3A_428 = arith.addf %add3A_424, %mul3A_427 : vector<16xf32>
        %mul3A_429 = arith.mulf %add3A_428, %add3A_424 : vector<16xf32>
        %add3A_430 = arith.addf %gather3A_423, %mul3A_427 : vector<16xf32>
        %mul3A_431 = arith.mulf %add3A_430, %gather3A_423 : vector<16xf32>
        %add3A_432 = arith.addf %mul3A_429, %mul3A_431 : vector<16xf32>
        %mul3A_433 = arith.mulf %gather3A_423, %add3A_424 : vector<16xf32>
        %div3A_434 = arith.divf %add3A_432, %mul3A_433 : vector<16xf32>
        %add3A_435 = arith.addf %scan3A_391, %div3A_434 : vector<16xf32>
        scf.yield %add3A_414, %add3A_435 : vector<16xf32>, vector<16xf32>
      }
      %scan3A_367 = arith.constant 128 : i32
      %sub3A_368 = arith.constant 2.560000e+02 : f32
      %sub3A_369 = vector.broadcast %sub3A_368 : f32 to vector<16xf32>
      %sub3A_370 = arith.subf %scan3A_366#0, %sub3A_369 : vector<16xf32>
      %mul3A_371 = arith.constant 2.500000e-01 : f32
      %mul3A_372 = vector.broadcast %mul3A_371 : f32 to vector<16xf32>
      %mul3A_373 = arith.mulf %sub3A_370, %mul3A_372 : vector<16xf32>
      %add3A_374 = arith.constant 0 : i32
      %add3A_375 = arith.addi %mul3A_322, %add3A_374 : i32
      %swap3A_376 = arith.index_cast %add3A_375 : i32 to index
      %swap3A_377 = tpu.vector_load %arg37[%swap3A_376] {strides = array<i32>} : memref<512xf32, #tpu.memory_space<vmem>>, vector<16xf32>,
      tpu.vector_store %arg37[%swap3A_376], %mul3A_373 {strides = array<i32>} : memref<512xf32, #tpu.memory_space<vmem>>, vector<16xf32>,
      %sub3A_378 = arith.constant 2.560000e+02 : f32
      %sub3A_379 = vector.broadcast %sub3A_378 : f32 to vector<16xf32>
      %sub3A_380 = arith.subf %scan3A_366#1, %sub3A_379 : vector<16xf32>
      %mul3A_381 = arith.constant 2.500000e-01 : f32
      %mul3A_382 = vector.broadcast %mul3A_381 : f32 to vector<16xf32>
      %mul3A_383 = arith.mulf %sub3A_380, %mul3A_382 : vector<16xf32>
      %add3A_384 = arith.constant 16 : i32
      %add3A_385 = arith.addi %mul3A_322, %add3A_384 : i32
      %swap3A_386 = arith.index_cast %add3A_385 : i32 to index
      %swap3A_387 = tpu.vector_load %arg37[%swap3A_386] {strides = array<i32>} : memref<512xf32, #tpu.memory_space<vmem>>, vector<16xf32>,
      tpu.vector_store %arg37[%swap3A_386], %mul3A_383 {strides = array<i32>} : memref<512xf32, #tpu.memory_space<vmem>>, vector<16xf32>,
      %scan3A_388 = arith.constant 0 : i32
      scf.yield %scan3A_388 : i32
    }
    %scan3A_112 = arith.constant 4 : i32
    "tpu.region"() ({
      %run_scoped3A = tpu.sem_alloc : memref<!tpu.dma_semaphore, #tpu.memory_space<semaphore_mem>>
      %dma_start3A_113 = tpu.memref_slice %arg9[%mul3A_2] : memref<16384xf32, #tpu.memory_space<hbm>> -> memref<512xf32, #tpu.memory_space<hbm>>
      %dma_start3A_114 = tpu.memref_slice %arg9[%mul3A_2] : memref<16384xf32, #tpu.memory_space<hbm>> -> memref<512xf32, #tpu.memory_space<hbm>>
      tpu.enqueue_dma source(%arg37 : memref<512xf32, #tpu.memory_space<vmem>>) target(%dma_start3A_114 : memref<512xf32, #tpu.memory_space<hbm>>) target_semaphore(%run_scoped3A : memref<!tpu.dma_semaphore, #tpu.memory_space<semaphore_mem>>)
      %dma_wait3A_115 = tpu.memref_slice %arg9[%mul3A_2] : memref<16384xf32, #tpu.memory_space<hbm>> -> memref<512xf32, #tpu.memory_space<hbm>>
      %dma_wait3A_116 = tpu.memref_slice %arg9[%mul3A_2] : memref<16384xf32, #tpu.memory_space<hbm>> -> memref<512xf32, #tpu.memory_space<hbm>>
      tpu.wait_dma2 semaphore(%run_scoped3A : memref<!tpu.dma_semaphore, #tpu.memory_space<semaphore_mem>>) src(%arg37 : memref<512xf32, #tpu.memory_space<vmem>>) dst(%dma_wait3A_116 : memref<512xf32, #tpu.memory_space<hbm>>)
      tpu.yield
    }) : () -> ()
    return
  }
}

</mosaic_0001>

<sc_bundles>
// kernel: kernel.3.cloned.1.call-start
scs
__scs_entry_jumppad:
0x0: {  	(pc) =	sbr.rel $0x88, $3  }
0x1: {  	(tag) =	ssettag $0x0;
	lr =	simm.s32 $0x1  }
0x2: {  	[smem:$0x3F9C] =	sst lr;
	_ =	strace $0xD0000000  }
0x3: {  	_ = 	snop  }
0x4: {  	_ = 	snop  }
0x5: {  	_ = 	snop  }
0x6: {  	_ = 	snop  }
0x7: {  	_ = 	snop  }
__scs_overlays_trampoline_lowered:
0x8: {  	[smem:$0x3FAB] =	sst s0  }
0x9: {  	[smem:$0x3FAC] =	sst s1  }
0xa: {  	[smem:$0x3FAD] =	sst s2  }
0xb: {  	[smem:$0x3FAE] =	sst s3  }
0xc: {  	[smem:$0x3FAF] =	sst s4  }
0xd: {  	[smem:$0x3FB0] =	sst s5  }
0xe: {  	[smem:$0x3FB1] =	sst s6  }
0xf: {  	[smem:$0x3FB2] =	sst s7  }
0x10: {  	[smem:$0x3FB3] =	sst s8  }
0x11: {  	[smem:$0x3FB4] =	sst s9;
	s0 =	simm.s32 @!p0 $0x0  }
0x12: {  	s1 =	sld [smem:$0x3F9A];
	s0 =	simm.s32 @p0 $0x1  }
0x13: {  	[smem:$0x3FB5] =	sst s0;
	s0 =	simm.s32 @!p1 $0x0  }
0x14: {  	s2 =	sld [smem:$0x3F99];
	s0 =	simm.s32 @p1 $0x1  }
0x15: {  	[smem:$0x3FB6] =	sst s0;
	s0 =	simm.s32 @!p2 $0x0  }
0x16: {  	s3 =	sld [smem:$0x3FDB];
	s0 =	simm.s32 @p2 $0x1  }
0x17: {  	s4 =	simm.s32 $0x1BF5;
	[smem:$0x3FB8] =	sst s0  }
0x18: {  	s0 =	sld [smem:$0x3F9B];
	_ =	swait.ge [sflag:s4], $0x0  }
0x19: {  	s7 =	sld [smem:$0x3F9C]  }
0x1a: {  	s8 =	sadd.s32 $0xFFFFE003, lr  }
0x1b: {  	s9 =	sadd.s32 $0xFFFFFEF7, lr;
	s5 =	simm.s32 $0xFFFFFFFF;
	p2 =	slt.u32 s8, $0xFFFFF086  }
0x1c: {  	p1 =	slt.u32 s9, $0xF7A;
	s5 =	simm.s32 @!p2 $0x0  }
0x1d: {  	s5 =	simm.s32 @p1 $0x1;
	p0 =	seq.s32 s7, s2  }
0x1e: {  	s7 =	smul.u32 @!p0 $0xF7A, s2;
	p2 =	seq.s32 @!p0 s5, $0x0  }
0x1f: {  	s9 =	smul.u32 $0xF7A, s1;
	s8 =	simm.s32 @!p0 $0x1BF5;
	p2 =	por !p2, p0  }
0x20: {  	[sflag:s8] =	ssyncset.s32 @!p0 $0xFFFFF086;
	s6 =	sadd.s32 @!p0 s3, s7;
	s7 =	simm.s32 @!p0 $0x108  }
0x21: {  	s3 =	sadd.s32 s3, s9;
	s6 =	sadd.s32 @!p0 $0x88, s6;
	s7 =	simm.s32 @p2 $0x1082  }
0x22: {  	[simem:s7], [sflag:s8] =	dma.local @!p0 [hbm:s6], $0xF7A  }
0x23: {  	s9 =	sor.u32 $0xD0000000, s2;
	s6 =	simm.s32 $0x108;
	_ =	swait.ge @!p0 [sflag:s8], $0x0  }
0x24: {  	s3 =	sadd.s32 $0x88, s3;
	s6 =	simm.s32 @!p1 $0x1082;
	[sflag:s4] =	ssyncset.s32 $0xFFFFF086  }
0x25: {  	[simem:s6], [sflag:s4] =	dma.local [hbm:s3], $0xF7A  }
0x26: {  	[smem:$0x3F9C] =	sst s1;
	(tag) =	ssettag s2;
	_ =	strace s9  }
0x27: {  	s1 =	sld [smem:$0x3FAC]  }
0x28: {  	s2 =	sld [smem:$0x3FAD]  }
0x29: {  	s4 =	sld [smem:$0x3FAF]  }
0x2a: {  	p0 =	seq.s32 s5, $0x0;
	s5 =	sld [smem:$0x3FB0]  }
0x2b: {  	s6 =	sld [smem:$0x3FB1]  }
0x2c: {  	s7 =	sld [smem:$0x3FB2]  }
0x2d: {  	s3 =	simm.s32 $0x108;
	s8 =	sld [smem:$0x3FB3]  }
0x2e: {  	s3 =	simm.s32 @!p0 $0x1082;
	s9 =	sld [smem:$0x3FB4]  }
0x2f: {  	lr =	sadd.s32 s0, s3;
	s0 =	sld [smem:$0x3FAB]  }
0x30: {  	s3 =	sld [smem:$0x3FAE]  }
0x31: {  	[smem:$0x3FB7] =	sst s10  }
0x32: {  	s10 =	sld [smem:$0x3FB5];
	_ =	sdelay $0x3  }
0x33: {  	p0 =	seq.s32 s10, $0x1;
	s10 =	sld [smem:$0x3FB7];
	_ =	sdelay $0x3  }
0x34: {  	[smem:$0x3FB7] =	sst s10  }
0x35: {  	s10 =	sld [smem:$0x3FB6];
	_ =	sdelay $0x3  }
0x36: {  	p1 =	seq.s32 s10, $0x1;
	s10 =	sld [smem:$0x3FB7];
	_ =	sdelay $0x3  }
0x37: {  	[smem:$0x3FB7] =	sst s10  }
0x38: {  	s10 =	sld [smem:$0x3FB8]  }
0x39: {  	_ = 	snop;
	(pc) =	sbr.ind lr, $3  }
0x3a: {  	_ = 	snop  }
0x3b: {  	_ = 	snop  }
0x3c: {  	p2 =	seq.s32 s10, $0x1;
	s10 =	sld [smem:$0x3FB7]  }
0x3d: {  	_ =	shalt  }
0x3e: {  	_ =	shalt  }
0x3f: {  	_ =	shalt  }
0x40: {  	_ =	shalt  }
0x41: {  	_ =	shalt  }
0x42: {  	_ =	shalt  }
0x43: {  	_ =	shalt  }
0x44: {  	_ =	shalt  }
0x45: {  	_ =	shalt  }
0x46: {  	_ =	shalt  }
0x47: {  	_ =	shalt  }
0x48: {  	_ =	shalt  }
0x49: {  	_ =	shalt  }
0x4a: {  	_ =	shalt  }
0x4b: {  	_ =	shalt  }
0x4c: {  	_ =	shalt  }
0x4d: {  	_ =	shalt  }
0x4e: {  	_ =	shalt  }
0x4f: {  	_ =	shalt  }
0x50: {  	_ =	shalt  }
0x51: {  	_ =	shalt  }
0x52: {  	_ =	shalt  }
0x53: {  	_ =	shalt  }
0x54: {  	_ =	shalt  }
0x55: {  	_ =	shalt  }
0x56: {  	_ =	shalt  }
0x57: {  	_ =	shalt  }
0x58: {  	_ =	shalt  }
0x59: {  	_ =	shalt  }
0x5a: {  	_ =	shalt  }
0x5b: {  	_ =	shalt  }
0x5c: {  	_ =	shalt  }
0x5d: {  	_ =	shalt  }
0x5e: {  	_ =	shalt  }
0x5f: {  	_ =	shalt  }
0x60: {  	_ =	shalt  }
0x61: {  	_ =	shalt  }
0x62: {  	_ =	shalt  }
0x63: {  	_ =	shalt  }
0x64: {  	_ =	shalt  }
0x65: {  	_ =	shalt  }
0x66: {  	_ =	shalt  }
0x67: {  	_ =	shalt  }
0x68: {  	_ =	shalt  }
0x69: {  	_ =	shalt  }
0x6a: {  	_ =	shalt  }
0x6b: {  	_ =	shalt  }
0x6c: {  	_ =	shalt  }
0x6d: {  	_ =	shalt  }
0x6e: {  	_ =	shalt  }
0x6f: {  	_ =	shalt  }
0x70: {  	_ =	shalt  }
0x71: {  	_ =	shalt  }
0x72: {  	_ =	shalt  }
0x73: {  	_ =	shalt  }
0x74: {  	_ =	shalt  }
0x75: {  	_ =	shalt  }
0x76: {  	_ =	shalt  }
0x77: {  	_ =	shalt  }
0x78: {  	_ =	shalt  }
0x79: {  	_ =	shalt  }
0x7a: {  	_ =	shalt  }
0x7b: {  	_ =	shalt  }
0x7c: {  	_ =	shalt  }
0x7d: {  	_ =	shalt  }
0x7e: {  	_ =	shalt  }
0x7f: {  	_ =	shalt  }
0x80: {  	_ =	shalt  }
0x81: {  	_ =	shalt  }
0x82: {  	_ =	shalt  }
0x83: {  	_ =	shalt  }
0x84: {  	_ =	shalt  }
0x85: {  	_ =	shalt  }
0x86: {  	_ =	shalt  }
0x87: {  	_ =	shalt  }
.Lfunc_end0:
.L_simem_size_0:
called_computation_lowered:
.L_overlay_start_0:
0x88: {  	s2 =	sld [smem:$0x3FD9]  }
0x89: {  	s3 =	sld [smem:$0x3FFE];
	_ =	sdelay $0x1  }
0x8a: {  	s1 =	srdreg.scid  }
0x8b: {  	s0 =	sand.u32 $0x1, s1  }
0x8c: {  	s17 =	sshll.u32 s0, $0xA;
	s2 =	sadd.s32 s3, s2  }
0x8d: {  	s2 =	sadd.s32 s2, s17  }
0x8e: {  	[smem:$0x3FC3] =	sst s2  }
0x8f: {  	_ = 	snop  }
0x90: {  	s2 =	sld [smem:$0x3FC8]  }
0x91: {  	s18 =	sld [smem:$0x3FC7]  }
0x92: {  	s4 =	sld [smem:$0x3FC6]  }
0x93: {  	s5 =	sld [smem:$0x3FC5]  }
0x94: {  	s6 =	sld [smem:$0x3FD0];
	(tm) =	ssettm $0x1  }
0x95: {  	s7 =	sld [smem:$0x3FFB];
	_ =	sdelay $0x3  }
0x96: {  	_ =	strace s7  }
0x97: {  	s7 =	sld [smem:$0x3FFC];
	_ =	sdelay $0x3  }
0x98: {  	_ =	strace s7  }
0x99: {  	s7 =	sld [smem:$0x3FFD];
	_ =	sdelay $0x3  }
0x9a: {  	_ =	strace s7  }
0x9b: {  	_ =	strace $0x8FFFFFFF  }
0x9c: {  	s19 =	sld [smem:$0x3FDB];
	_ =	sdelay $0x1  }
0x9d: {  	s8 =	simm.s32 $_scs_section_size  }
0x9e: {  	s9 =	simm.s32 $_size__tile_overlayer_lowered;
	s10 =	simm.s32 $_tile_overlayer_lowered  }
0x9f: {  	s22 =	simm.s32 $0x1BFF;
	s21 =	sshll.u32 s10, $0x1;
	s7 =	sadd.s32 s8, s19  }
0xa0: {  	s11 =	simm.s32 $0x0;
	s20 =	sshll.u32 s9, $0x1;
	s9 =	sadd.s32 s21, s7  }
0xa1: {  	[timem:s11], [sflag:s22] =	dma.local [hbm:s9], s20  }
0xa2: {  	_ =	swait.ge [sflag:s22], s20  }
0xa3: {  	s8 =	ssub.s32 $0x0, s20;
	[sflag:s22] =	ssyncset.done $0x0  }
0xa4: {  	[sflag:s22] =	ssyncadd.s32 s8;
	_ =	sdelay $0x1  }
0xa5: {  	s23 =	simm.s32 $0x1B8B  }
0xa6: {  	_ =	swait.ge [sflag:s23], $0x1  }
0xa7: {  	[sflag:s23] =	ssyncset.done $0x0  }
0xa8: {  	s25 =	simm.s32 $0x1B8E;
	s24 =	sld [smem:$0x3FFE];
	[sflag:s23] =	ssyncadd.s32 $0xFFFFFFFF  }
0xa9: {  	s26 =	simm.s32 $execute0_lowered;
	[smem:$0x3FD2] =	sst s25  }
0xaa: {  	s9 =	sshll.u32 s26, $0x1;
	_ =	strace $0x80000046;
	[dreg:$0x1] =	wrdreg $0xFFFFFFFF  }
0xab: {  	s28 =	simm.s32 $_size_execute0_lowered;
	s7 =	sadd.s32 s7, s9;
	[dreg:$0x0] =	wrdreg $0x0  }
0xac: {  	s9 =	sshll.u32 s28, $0x1;
	[dreg:$0x2] =	wrdreg s7  }
0xad: {  	[dreg:$0x3] =	wrdreg s9  }
0xae: {  	[dreg:$0x4] =	wrdreg $0xC0  }
0xaf: {  	_ =	task [dreg:s11], $0x5FFFF  }
0xb0: {  	[dreg:$0x1] =	wrdreg $0xFFFFFFFF  }
0xb1: {  	[dreg:$0x0] =	wrdreg $0x60  }
0xb2: {  	[dreg:$0x2] =	wrdreg s24  }
0xb3: {  	[dreg:$0x3] =	wrdreg s2  }
0xb4: {  	[dreg:$0x4] =	wrdreg s18  }
0xb5: {  	[dreg:$0x5] =	wrdreg s4  }
0xb6: {  	[dreg:$0x6] =	wrdreg s5  }
0xb7: {  	[dreg:$0x7] =	wrdreg s6  }
0xb8: {  	[dreg:$0x8] =	wrdreg $0x9  }
0xb9: {  	_ =	task.clear_ibuf [dreg:s11], $0x9FFFF;
	_ =	strace $0x90000046  }
0xba: {  	s29 =	simm.s32 $0x9;
	_ =	strace $0x80000048  }
0xbb: {  	_ =	swait.ge [sflag:s29], $0x1  }
0xbc: {  	[sflag:s29] =	ssyncadd.s32 $0xFFFFFFFF  }
0xbd: {  	_ =	strace $0x90000048  }
0xbe: {  	_ =	sfence  }
0xbf: {  	s30 =	sld [smem:$0x0];
	_ =	sdelay $0x2  }
0xc0: {  	s31 =	sshll.u32 s1, $0xD;
	s1 =	sshrl.u32 s1, $0x2  }
0xc1: {  	s3 =	sand.u32 $0x4000, s31;
	s1 =	sadd.s32 s1, s30  }
0xc2: {  	s0 =	sor.u32 s3, s0;
	s1 =	sshll.u32 s1, $0x11  }
0xc3: {  	s0 =	sor.u32 s1, s0  }
0xc4: {  	s0 =	sadd.s32 $0x8F2B, s0  }
0xc5: {  	[sflag:s0] =	ssyncadd.remote.s32 $0x1  }
0xc6: {  	_ =	sfence.sel $0xFFFF  }
0xc7: {  	[dreg:$0x0] =	wrdreg $0xFFFFFFFF;
	(pc) =	sbr.abs _section_cstart, $3  }
0xc8: {  	[dreg:$0x1] =	wrdreg $0xFFFFFFFF  }
0xc9: {  	_ =	task.clear_ibuf [dreg:s11], $0x2FFFF;
	_ =	strace $0x9FFFFFFF  }
0xca: {  	(tm) =	ssettm $0x7FFFFFFF  }
0xcb: {  	_ =	shalt  }
tec
execute0_lowered:
.L_overlay_start_1:
0x0: {  	(tag) =	ssettag $0x1  }
0x1: {  	s0 =	rddreg [dreg:$0x0]  }
0x2: {  	s1 =	rddreg [dreg:$0x5]  }
0x3: {  	s2 =	srdreg.scid;
	s6 =	simm.s32 $0x0;
	s3 =	stileid.u32  }
0x4: {  	s16 =	simm.s32 $0x600;
	s17 =	simm.s32 $0x1600;
	s18 =	simm.s32 $0x2600  }
0x5: {  	s19 =	simm.s32 $0x3600;
	s20 =	simm.s32 $0x4600;
	s21 =	simm.s32 $0x5600  }
0x6: {  	s29 =	simm.s32 $0xA600;
	s30 =	simm.s32 $0xB600;
	s5 =	simm.s32 $0xD600  }
0x7: {  	s7 =	simm.s32 $0xE600;
	s28 =	simm.s32 $0xF600;
	s9 =	simm.s32 $0x10600  }
0x8: {  	s10 =	simm.s32 $0x11600;
	s31 =	simm.s32 $0x12600;
	s11 =	simm.s32 $0x13600  }
0x9: {  	s8 =	simm.s32 $0x15600;
	s12 =	simm.s32 $0x16600;
	s2 =	sand.u32 $0x1, s2  }
0xa: {  	s13 =	simm.s32 $0x17600;
	s3 =	sshll.u32 s3, $0x7;
	s4 =	sshll.u32 s2, $0x6  }
0xb: {  	[smem:$0x7FF] =	sst s6;
	s2 =	ssub.s32 $0x2, s2;
	s3 =	sor.u32 s4, s3  }
0xc: {  	_ =	strace $0x80000047;
	s0 =	sadd.s32 s3, s0;
	s25 =	sadd.s32 s1, s3  }
0xd: {  	s22 =	sshrl.u32 s2, $0x1;
	s23 =	sadd.s32 $0x1600, s0;
	[dreg:$0xa] =	wrdreg s25  }
0xe: {  	s2 =	ssub.s32 s2, s22;
	s24 =	sadd.s32 $0xE00, s0;
	[dreg:$0x7] =	wrdreg s23  }
0xf: {  	v1 =	vlaneseq.u32;
	s22 =	simm.s32 $0x6600;
	s0 =	sadd.s32 $0x600, s0;
	[dreg:$0x8] =	wrdreg s24  }
0x10: {  	v0 =	vmul.u32 $0x80, v1;
	s3 =	simm.s32 $0x0;
	s26 =	smax.u32 s2, $0x1;
	[dreg:$0x9] =	wrdreg s0  }
0x11: {  	s25 =	simm.s32 $0x8600;
	[dreg:$0xb] =	wrdreg s26;
	s23 =	simm.s32 $0x7600  }
0x12: {  	v1 =	vmul.u32 $0x9, v1;
	v2 =	vor.u32 $0x800, v0;
	s26 =	simm.s32 $0x9600;
	s0 =	simm.s32 $0xC600;
	s24 =	simm.s32 $0x14600  }
.LBB2_1:
0x13: {  	[dreg:$0xc] =	wrdreg s3  }
0x14: {  	s1 =	rddreg [dreg:$0x7]  }
0x15: {  	[tilespmem:s6], [sflag:$0x5] =	stream.linear.gather [hbm4b:s1+s6], $0x200, $0x38;
	[tilespmem:$0x18800] =	vst v63  }
0x16: {  	s15 =	rddreg [dreg:$0x8];
	s14 =	simm.s32 $0x200  }
0x17: {  	[tilespmem:s14], [sflag:$0x5] =	stream.linear.gather [hbm4b:s15+s6], $0x200, $0x38;
	[tilespmem:$0x18800] =	vst v63  }
0x18: {  	s2 =	rddreg [dreg:$0x9];
	s3 =	simm.s32 $0x400;
	s4 =	simm.s32 $0x5  }
0x19: {  	[tilespmem:s3], [sflag:$0x5] =	stream.linear.gather [hbm4b:s2+s6], $0x200, $0x38;
	[tilespmem:$0x18800] =	vst v63  }
0x1a: {  	_ =	swait.ge [sflag:s4], $0x200  }
0x1b: {  	[sflag:s4] =	ssyncset.done $0x0  }
0x1c: {  	[sflag:s4] =	ssyncadd.s32 $0xFFFFFE00  }
0x1d: {  	_ =	swait.ge [sflag:s4], $0x200  }
0x1e: {  	[sflag:s4] =	ssyncset.done $0x0  }
0x1f: {  	[sflag:s4] =	ssyncadd.s32 $0xFFFFFE00  }
0x20: {  	_ =	swait.ge [sflag:s4], $0x200  }
0x21: {  	[sflag:s4] =	ssyncset.done $0x0  }
0x22: {  	[sflag:s4] =	ssyncadd.s32 $0xFFFFFE00  }
0x23: {  	s15 =	simm.s32 $0x20;
	s1 =	rddreg [dreg:$0x1]  }
0x24: {  	[tilespmem:s16], [sflag:$0x1] =	stream.indirect.gather [hbm4b:s1+s15], $0x80, s6, s15, $0xb8;
	[tilespmem:$0x18800] =	vst v63  }
0x25: {  	s2 =	rddreg [dreg:$0x2]  }
0x26: {  	[tilespmem:s17], [sflag:$0x1] =	stream.indirect.gather [hbm4b:s2+s15], $0x80, s6, s15, $0xb8;
	[tilespmem:$0x18800] =	vst v63  }
0x27: {  	_ = 	snop  }
0x28: {  	[tilespmem:s18], [sflag:$0x1] =	stream.indirect.gather [hbm4b:s1+s15], $0x80, s3, s15, $0xb8;
	[tilespmem:$0x18800] =	vst v63  }
0x29: {  	_ = 	snop  }
0x2a: {  	[tilespmem:s19], [sflag:$0x1] =	stream.indirect.gather [hbm4b:s2+s15], $0x80, s3, s15, $0xb8;
	[tilespmem:$0x18800] =	vst v63  }
0x2b: {  	s3 =	rddreg [dreg:$0x3]  }
0x2c: {  	[tilespmem:s20], [sflag:$0x1] =	stream.indirect.gather [hbm4b:s3+s15], $0x80, s14, s15, $0xb8;
	[tilespmem:$0x18800] =	vst v63  }
0x2d: {  	s4 =	rddreg [dreg:$0x4]  }
0x2e: {  	[tilespmem:s21], [sflag:$0x1] =	stream.indirect.gather [hbm4b:s4+s15], $0x80, s14, s15, $0xb8;
	[tilespmem:$0x18800] =	vst v63  }
0x2f: {  	_ = 	snop  }
0x30: {  	[tilespmem:s22], [sflag:$0x2] =	stream.indirect.gather [hbm4b:s1+s15], $0x80, s15, s15, $0xb8;
	[tilespmem:$0x18800] =	vst v63  }
0x31: {  	_ = 	snop  }
0x32: {  	[tilespmem:s23], [sflag:$0x2] =	stream.indirect.gather [hbm4b:s2+s15], $0x80, s15, s15, $0xb8;
	[tilespmem:$0x18800] =	vst v63  }
0x33: {  	s14 =	simm.s32 $0x420  }
0x34: {  	[tilespmem:s25], [sflag:$0x2] =	stream.indirect.gather [hbm4b:s1+s15], $0x80, s14, s15, $0xb8;
	[tilespmem:$0x18800] =	vst v63  }
0x35: {  	_ = 	snop  }
0x36: {  	[tilespmem:s26], [sflag:$0x2] =	stream.indirect.gather [hbm4b:s2+s15], $0x80, s14, s15, $0xb8;
	[tilespmem:$0x18800] =	vst v63  }
0x37: {  	s14 =	simm.s32 $0x220  }
0x38: {  	[tilespmem:s29], [sflag:$0x2] =	stream.indirect.gather [hbm4b:s3+s15], $0x80, s14, s15, $0xb8;
	[tilespmem:$0x18800] =	vst v63  }
0x39: {  	_ = 	snop  }
0x3a: {  	[tilespmem:s30], [sflag:$0x2] =	stream.indirect.gather [hbm4b:s4+s15], $0x80, s14, s15, $0xb8;
	[tilespmem:$0x18800] =	vst v63  }
0x3b: {  	s14 =	simm.s32 $0x40  }
0x3c: {  	[tilespmem:s0], [sflag:$0x3] =	stream.indirect.gather [hbm4b:s1+s15], $0x80, s14, s15, $0xb8;
	[tilespmem:$0x18800] =	vst v63  }
0x3d: {  	_ = 	snop  }
0x3e: {  	[tilespmem:s5], [sflag:$0x3] =	stream.indirect.gather [hbm4b:s2+s15], $0x80, s14, s15, $0xb8;
	[tilespmem:$0x18800] =	vst v63  }
0x3f: {  	s14 =	simm.s32 $0x440  }
0x40: {  	[tilespmem:s7], [sflag:$0x3] =	stream.indirect.gather [hbm4b:s1+s15], $0x80, s14, s15, $0xb8;
	[tilespmem:$0x18800] =	vst v63  }
0x41: {  	_ = 	snop  }
0x42: {  	[tilespmem:s28], [sflag:$0x3] =	stream.indirect.gather [hbm4b:s2+s15], $0x80, s14, s15, $0xb8;
	[tilespmem:$0x18800] =	vst v63  }
0x43: {  	s14 =	simm.s32 $0x240  }
0x44: {  	[tilespmem:s9], [sflag:$0x3] =	stream.indirect.gather [hbm4b:s3+s15], $0x80, s14, s15, $0xb8;
	[tilespmem:$0x18800] =	vst v63  }
0x45: {  	_ = 	snop  }
0x46: {  	[tilespmem:s10], [sflag:$0x3] =	stream.indirect.gather [hbm4b:s4+s15], $0x80, s14, s15, $0xb8;
	[tilespmem:$0x18800] =	vst v63  }
0x47: {  	s15 =	simm.s32 $0x0  }
.LBB2_2:
0x48: {  	s2 =	sshll.u32 s15, $0x7  }
0x49: {  	s3 =	rddreg [dreg:$0x1];
	s6 =	simm.s32 $0x20;
	s14 =	sor.u32 $0x60, s2  }
0x4a: {  	[tilespmem:s31], [sflag:$0x4] =	stream.indirect.gather [hbm4b:s3+s6], $0x80, s14, s6, $0xb8;
	[tilespmem:$0x18800] =	vst v63  }
0x4b: {  	s4 =	rddreg [dreg:$0x2]  }
0x4c: {  	[tilespmem:s11], [sflag:$0x4] =	stream.indirect.gather [hbm4b:s4+s6], $0x80, s14, s6, $0xb8;
	[tilespmem:$0x18800] =	vst v63  }
0x4d: {  	s1 =	sadd.s32 $0x460, s2  }
0x4e: {  	[tilespmem:s24], [sflag:$0x4] =	stream.indirect.gather [hbm4b:s3+s6], $0x80, s1, s6, $0xb8;
	[tilespmem:$0x18800] =	vst v63  }
0x4f: {  	[dreg:$0xd] =	wrdreg s14  }
0x50: {  	[tilespmem:s8], [sflag:$0x4] =	stream.indirect.gather [hbm4b:s4+s6], $0x80, s1, s6, $0xb8;
	[tilespmem:$0x18800] =	vst v63  }
0x51: {  	s14 =	rddreg [dreg:$0x3];
	s1 =	sadd.s32 $0x260, s2  }
0x52: {  	[tilespmem:s12], [sflag:$0x4] =	stream.indirect.gather [hbm4b:s14+s6], $0x80, s1, s6, $0xb8;
	[tilespmem:$0x18800] =	vst v63  }
0x53: {  	s4 =	rddreg [dreg:$0x4]  }
0x54: {  	[tilespmem:s13], [sflag:$0x4] =	stream.indirect.gather [hbm4b:s4+s6], $0x80, s1, s6, $0xb8;
	[tilespmem:$0x18800] =	vst v63  }
0x55: {  	s6 =	simm.s32 $0x1  }
0x56: {  	_ =	swait.ge [sflag:s6], $0x1000  }
0x57: {  	[sflag:s6] =	ssyncset.done $0x0  }
0x58: {  	[sflag:s6] =	ssyncadd.s32 $0xFFFFF000  }
0x59: {  	_ =	swait.ge [sflag:s6], $0x1000  }
0x5a: {  	[sflag:s6] =	ssyncset.done $0x0  }
0x5b: {  	[sflag:s6] =	ssyncadd.s32 $0xFFFFF000  }
0x5c: {  	_ =	swait.ge [sflag:s6], $0x1000  }
0x5d: {  	[sflag:s6] =	ssyncset.done $0x0  }
0x5e: {  	[sflag:s6] =	ssyncadd.s32 $0xFFFFF000  }
0x5f: {  	_ =	swait.ge [sflag:s6], $0x1000  }
0x60: {  	s14 =	simm.s32 $0x0;
	[sflag:s6] =	ssyncset.done $0x0  }
0x61: {  	v3 =	vadd.s32 s14, v1;
	[sflag:s6] =	ssyncadd.s32 $0xFFFFF000  }
0x62: {  	v3 =	vand.u32 $0x7F, v3;
	_ =	swait.ge [sflag:s6], $0x1000  }
0x63: {  	v4 =	vor.u32 v2, v3;
	[sflag:s6] =	ssyncset.done $0x0  }
0x64: {  	[sflag:s6] =	ssyncadd.s32 $0xFFFFF000  }
0x65: {  	_ =	swait.ge [sflag:s6], $0x1000  }
0x66: {  	[sflag:s6] =	ssyncset.done $0x0  }
0x67: {  	[sflag:s6] =	ssyncadd.s32 $0xFFFFF000  }
0x68: {  	v3 =	vor.u32 v0, v3;
	v5 =	vld.idx.msk [tilespmem:v4+s16+$0x0], $0xffff  }
0x69: {  	v6 =	vld.idx.msk [tilespmem:v4+s17+$0x0], $0xffff  }
0x6a: {  	v7 =	vld.idx.msk [tilespmem:v4+s19+$0x0], $0xffff  }
0x6b: {  	v8 =	vld.idx.msk [tilespmem:v4+s18+$0x0], $0xffff  }
0x6c: {  	s4 =	simm.s32 $0x1;
	v9 =	vld.idx.msk [tilespmem:v4+s21+$0x0], $0xffff  }
0x6d: {  	v10 =	vadd.s32 s4, v1;
	v11 =	vld.idx.msk [tilespmem:v3+s17+$0x0], $0xffff  }
0x6e: {  	v10 =	vand.u32 $0x7F, v10;
	v4 =	vld.idx.msk [tilespmem:v4+s20+$0x0], $0xffff  }
0x6f: {  	v12 =	vor.u32 v2, v10;
	v13 =	vld.idx.msk [tilespmem:v3+s19+$0x0], $0xffff  }
0x70: {  	v14 =	vld.idx.msk [tilespmem:v3+s16+$0x0], $0xffff  }
0x71: {  	v15 =	vld.idx.msk [tilespmem:v3+s18+$0x0], $0xffff  }
0x72: {  	v16 =	vld.idx.msk [tilespmem:v3+s21+$0x0], $0xffff  }
0x73: {  	v3 =	vld.idx.msk [tilespmem:v3+s20+$0x0], $0xffff  }
0x74: {  	v17 =	vld.idx.msk [tilespmem:v12+s17+$0x0], $0xffff;
	v6 =	vadd.f32 v7, v6  }
0x75: {  	v21 =	vld.idx.msk [tilespmem:v12+s21+$0x0], $0xffff;
	v7 =	vor.u32 v0, v10;
	v5 =	vsub.f32 v8, v5  }
0x76: {  	v10 =	vld.idx.msk [tilespmem:v12+s16+$0x0], $0xffff;
	v8 =	vmul.f32 v9, v6  }
0x77: {  	v4 =	vsub.f32 v4, v5;
	v5 =	vld.idx.msk [tilespmem:v12+s19+$0x0], $0xffff  }
0x78: {  	s6 =	simm.s32 $0x2;
	v11 =	vadd.f32 v13, v11;
	v13 =	vsub.f32 v15, v14;
	(erf) = vrcp.f32 v8;
	v8 =	vld.idx.msk [tilespmem:v12+s18+$0x0], $0xffff  }
0x79: {  	v15 =	vadd.s32 s6, v1;
	v4 =	vmul.f32 v4, v4;
	v12 =	vld.idx.msk [tilespmem:v12+s20+$0x0], $0xffff  }
0x7a: {  	v15 =	vand.u32 $0x7F, v15;
	v14 =	vmul.f32 v16, v11;
	v3 =	vsub.f32 v3, v13;
	v18 =	vld.idx.msk [tilespmem:v7+s17+$0x0], $0xffff  }
0x7b: {  	v20 =	vor.u32 v2, v15;
	v13 =	vld.idx.msk [tilespmem:v7+s19+$0x0], $0xffff;
	v19 =	vadd.f32 v4, v6;
	v4 =	vadd.f32 v4, v9  }
0x7c: {  	v3 =	vmul.f32 v3, v3;
	(erf) = vrcp.f32 v14;
	v22 =	vld.idx.msk [tilespmem:v7+s18+$0x0], $0xffff;
	v17 =	vadd.f32 v5, v17  }
0x7d: {  	v6 =	vmul.f32 v19, v6;
	v4 =	vmul.f32 v4, v9;
	v19 =	vld.idx.msk [tilespmem:v7+s16+$0x0], $0xffff;
	v5 =	vsub.f32 v8, v10  }
0x7e: {  	v14 =	vadd.f32 v3, v11;
	v8 =	vor.u32 v0, v15;
	v10 =	vld.idx.msk [tilespmem:v7+s20+$0x0], $0xffff;
	v15 =	vmul.f32 v21, v17  }
0x7f: {  	v4 =	vadd.f32 v4, v6;
	v6 =	vld.idx.msk [tilespmem:v7+s21+$0x0], $0xffff;
	v23 =	vsub.f32 v12, v5  }
0x80: {  	v3 =	vadd.f32 v3, v16;
	v11 =	vmul.f32 v14, v11;
	v14 =	vld.idx.msk [tilespmem:v20+s19+$0x0], $0xffff;
	(erf) = vrcp.f32 v15  }
0x81: {  	s14 =	simm.s32 $0x3;
	v12 =	vld.idx.msk [tilespmem:v20+s17+$0x0], $0xffff;
	v5 =	vadd.f32 v13, v18;
	v18 =	vmul.f32 v23, v23  }
0x82: {  	v25 =	vadd.s32 s14, v1;
	v16 =	vmul.f32 v3, v16;
	v13 =	vld.idx.msk [tilespmem:v20+s18+$0x0], $0xffff;
	v9 =	vpop (erf);
	v15 =	vsub.f32 v22, v19  }
0x83: {  	v7 =	vimm.f32 $0.0e+00;
	v4 =	vmul.f32 v4, v9;
	v9 =	vld.idx.msk [tilespmem:v20+s16+$0x0], $0xffff;
	v23 =	vadd.f32 v18, v17  }
0x84: {  	v22 =	vmul.f32 v6, v5;
	v24 =	vadd.f32 v18, v21;
	v19 =	vsub.f32 v10, v15;
	v15 =	vld.idx.msk [tilespmem:v20+s20+$0x0], $0xffff  }
0x85: {  	v16 =	vadd.f32 v16, v11;
	v3 =	vadd.f32 v4, v7;
	v4 =	vld.idx.msk [tilespmem:v20+s21+$0x0], $0xffff;
	v20 =	vmul.f32 v23, v17  }
0x86: {  	v11 =	vld.idx.msk [tilespmem:v8+s17+$0x0], $0xffff;
	v10 =	vand.u32 $0x7F, v25;
	v18 =	vpop (erf);
	v21 =	vmul.f32 v24, v21;
	(erf) = vrcp.f32 v22  }
0x87: {  	s1 =	simm.s32 $0x4;
	v17 =	vld.idx.msk [tilespmem:v8+s19+$0x0], $0xffff;
	v18 =	vmul.f32 v16, v18;
	v16 =	vor.u32 v0, v10;
	v10 =	vor.u32 v2, v10  }
.LBB2_3:
0x88: {  	p0 =	sne.s32 s1, $0x7F;
	v22 =	vld.idx.msk [tilespmem:v8+s16+$0x0], $0xffff;
	v23 =	vadd.f32 v14, v12;
	v12 =	vmul.f32 v19, v19;
	v14 =	vadd.f32 v21, v20  }
0x89: {  	v7 =	vadd.f32 v18, v7;
	v19 =	vld.idx.msk [tilespmem:v8+s18+$0x0], $0xffff;
	v20 =	vpop (erf)  }
0x8a: {  	v13 =	vsub.f32 v13, v9;
	v21 =	vld.idx.msk [tilespmem:v8+s21+$0x0], $0xffff;
	v18 =	vmul.f32 v4, v23;
	v14 =	vmul.f32 v14, v20  }
0x8b: {  	v26 =	vmovc v4;
	v24 =	vadd.f32 v12, v5;
	v25 =	vadd.f32 v12, v6;
	v20 =	vld.idx.msk [tilespmem:v8+s20+$0x0], $0xffff;
	v8 =	vmov v16  }
0x8c: {  	v4 =	vsub.f32 v15, v13;
	v9 =	vld.idx.msk [tilespmem:v10+s16+$0x0], $0xffff;
	(erf) = vrcp.f32 v18;
	v3 =	vadd.f32 v14, v3  }
0x8d: {  	v18 =	vmul.f32 v24, v5;
	v5 =	vadd.f32 v17, v11;
	v6 =	vmul.f32 v25, v6;
	v12 =	vld.idx.msk [tilespmem:v10+s17+$0x0], $0xffff  }
0x8e: {  	v11 =	vmul.f32 v4, v4;
	v14 =	vld.idx.msk [tilespmem:v10+s19+$0x0], $0xffff  }
.Ltmp0:
0x8f: {  	v16 =	vsub.f32 v19, v22;
	v27 =	vadd.f32 v6, v18;
	v13 =	vld.idx.msk [tilespmem:v10+s18+$0x0], $0xffff;
	(pc) =	sbr.rel @p0 .LBB2_3-.Ltmp0, $4  }
0x90: {  	v22 =	vmul.f32 v21, v5;
	v17 =	vadd.f32 v11, v23;
	v24 =	vadd.f32 v11, v26;
	v4 =	vld.idx.msk [tilespmem:v10+s21+$0x0], $0xffff;
	v15 =	vpop (erf)  }
0x91: {  	v25 =	vadd.s32 s1, v1;
	v19 =	vsub.f32 v20, v16;
	v6 =	vmovc v21;
	v11 =	vld.idx.msk [tilespmem:v8+s17+$0x0], $0xffff;
	v18 =	vmul.f32 v27, v15  }
0x92: {  	v25 =	vand.u32 $0x7F, v25;
	v20 =	vmul.f32 v17, v23;
	v21 =	vmul.f32 v24, v26;
	v15 =	vld.idx.msk [tilespmem:v10+s20+$0x0], $0xffff  }
0x93: {  	s1 =	sadd.s32 $0x1, s1;
	v16 =	vor.u32 v0, v25;
	v10 =	vor.u32 v2, v25;
	v17 =	vld.idx.msk [tilespmem:v8+s19+$0x0], $0xffff;
	(erf) = vrcp.f32 v22  }
0x94: {  	_ =	sdelay $0x3  }
0x95: {  	v22 =	vld.idx.msk [tilespmem:v8+s16+$0x0], $0xffff  }
0x96: {  	v23 =	vld.idx.msk [tilespmem:v8+s18+$0x0], $0xffff  }
0x97: {  	v24 =	vld.idx.msk [tilespmem:v8+s21+$0x0], $0xffff  }
0x98: {  	v8 =	vld.idx.msk [tilespmem:v8+s20+$0x0], $0xffff  }
0x99: {  	v25 =	vld.idx.msk [tilespmem:v10+s16+$0x0], $0xffff  }
0x9a: {  	v26 =	vld.idx.msk [tilespmem:v10+s17+$0x0], $0xffff  }
0x9b: {  	v27 =	vld.idx.msk [tilespmem:v10+s19+$0x0], $0xffff  }
0x9c: {  	v28 =	vld.idx.msk [tilespmem:v10+s21+$0x0], $0xffff  }
0x9d: {  	v29 =	vld.idx.msk [tilespmem:v16+s17+$0x0], $0xffff  }
0x9e: {  	v12 =	vadd.f32 v14, v12;
	v14 =	vmul.f32 v19, v19;
	v19 =	vadd.f32 v21, v20;
	v20 =	vld.idx.msk [tilespmem:v16+s19+$0x0], $0xffff  }
0x9f: {  	v9 =	vsub.f32 v13, v9;
	v13 =	vld.idx.msk [tilespmem:v16+s16+$0x0], $0xffff  }
0xa0: {  	v7 =	vadd.f32 v18, v7;
	v30 =	vld.idx.msk [tilespmem:v16+s18+$0x0], $0xffff;
	v21 =	vadd.f32 v14, v5  }
0xa1: {  	v18 =	vpop (erf);
	v14 =	vadd.f32 v14, v6;
	v9 =	vsub.f32 v15, v9;
	v15 =	vld.idx.msk [tilespmem:v16+s21+$0x0], $0xffff  }
0xa2: {  	v18 =	vmul.f32 v19, v18;
	v19 =	vmul.f32 v4, v12;
	v16 =	vld.idx.msk [tilespmem:v16+s20+$0x0], $0xffff  }
0xa3: {  	v11 =	vadd.f32 v17, v11;
	v5 =	vmul.f32 v21, v5;
	v6 =	vmul.f32 v14, v6;
	v14 =	vld.idx.msk [tilespmem:v10+s18+$0x0], $0xffff  }
0xa4: {  	(erf) = vrcp.f32 v19;
	v17 =	vsub.f32 v23, v22;
	v19 =	vadd.f32 v27, v26  }
0xa5: {  	v10 =	vld.idx.msk [tilespmem:v10+s20+$0x0], $0xffff;
	v5 =	vadd.f32 v6, v5;
	v6 =	vadd.f32 v20, v29;
	v20 =	vmul.f32 v24, v11  }
0xa6: {  	v9 =	vmul.f32 v9, v9;
	v13 =	vsub.f32 v30, v13  }
0xa7: {  	v8 =	vsub.f32 v8, v17;
	v17 =	vmul.f32 v28, v19;
	(erf) = vrcp.f32 v20  }
0xa8: {  	v20 =	vmul.f32 v15, v6;
	v13 =	vsub.f32 v16, v13;
	v14 =	vsub.f32 v14, v25  }
0xa9: {  	v8 =	vmul.f32 v8, v8;
	(erf) = vrcp.f32 v17;
	v17 =	vadd.f32 v9, v12  }
0xaa: {  	v9 =	vadd.f32 v9, v4;
	v13 =	vmul.f32 v13, v13;
	v10 =	vsub.f32 v10, v14  }
0xab: {  	v21 =	vpop (erf);
	(erf) = vrcp.f32 v20;
	v16 =	vadd.f32 v8, v11;
	v8 =	vadd.f32 v8, v24  }
0xac: {  	v12 =	vmul.f32 v17, v12;
	v14 =	vadd.f32 v13, v6;
	v10 =	vmul.f32 v10, v10  }
0xad: {  	v13 =	vadd.f32 v13, v15;
	v11 =	vmul.f32 v16, v11;
	v8 =	vmul.f32 v8, v24  }
0xae: {  	v4 =	vmul.f32 v9, v4;
	v9 =	vadd.f32 v10, v19;
	v10 =	vadd.f32 v10, v28  }
0xaf: {  	v5 =	vmul.f32 v5, v21;
	v8 =	vadd.f32 v8, v11  }
0xb0: {  	v4 =	vadd.f32 v4, v12;
	v9 =	vmul.f32 v9, v19;
	v10 =	vmul.f32 v10, v28  }
0xb1: {  	v6 =	vmul.f32 v14, v6;
	v16 =	vpop (erf);
	v11 =	vmul.f32 v13, v15  }
0xb2: {  	v3 =	vadd.f32 v18, v3;
	v4 =	vmul.f32 v4, v16;
	v13 =	vpop (erf);
	v9 =	vadd.f32 v10, v9  }
0xb3: {  	v5 =	vadd.f32 v5, v7;
	v6 =	vadd.f32 v11, v6;
	v7 =	vmul.f32 v8, v13;
	v8 =	vpop (erf)  }
0xb4: {  	v3 =	vadd.f32 v4, v3;
	v10 =	vpop (erf);
	v4 =	vmul.f32 v9, v8  }
0xb5: {  	v5 =	vadd.f32 v7, v5;
	v6 =	vmul.f32 v6, v10  }
0xb6: {  	v3 =	vadd.f32 v4, v3  }
0xb7: {  	v5 =	vadd.f32 v6, v5  }
0xb8: {  	v3 =	vadd.f32 $-2.560000000e+02, v3  }
0xb9: {  	v4 =	vadd.f32 $-2.560000000e+02, v5  }
0xba: {  	v3 =	vmul.f32 $2.500000000e-01, v3  }
0xbb: {  	v4 =	vmul.f32 $2.500000000e-01, v4  }
0xbc: {  	p0 =	seq.s32 s15, $0x3;
	s3 =	rddreg [dreg:$0x1];
	[tilespmem:s2+$0x18610] =	vst v3  }
0xbd: {  	s1 =	sadd.s32 @!p0 $0x80, s2;
	s6 =	simm.s32 @!p0 $0x20;
	s14 =	simm.s32 @!p0 $0x600;
	[tilespmem:s2+$0x18600] =	vst v4  }
0xbe: {  	[tilespmem:s14], [sflag:$0x1] =	stream.indirect.gather @!p0 [hbm4b:s3+s6], $0x80, s1, s6, $0xb8;
	[tilespmem:$0x18800] =	vst v63  }
0xbf: {  	s4 =	rddreg [dreg:$0x2];
	s14 =	simm.s32 @!p0 $0x1600  }
0xc0: {  	[tilespmem:s14], [sflag:$0x1] =	stream.indirect.gather @!p0 [hbm4b:s4+s6], $0x80, s1, s6, $0xb8;
	[tilespmem:$0x18800] =	vst v63  }
0xc1: {  	s1 =	sadd.s32 @!p0 $0x480, s2;
	s14 =	simm.s32 @!p0 $0x2600  }
0xc2: {  	[tilespmem:s14], [sflag:$0x1] =	stream.indirect.gather @!p0 [hbm4b:s3+s6], $0x80, s1, s6, $0xb8;
	[tilespmem:$0x18800] =	vst v63  }
0xc3: {  	s14 =	simm.s32 @!p0 $0x3600  }
0xc4: {  	[tilespmem:s14], [sflag:$0x1] =	stream.indirect.gather @!p0 [hbm4b:s4+s6], $0x80, s1, s6, $0xb8;
	[tilespmem:$0x18800] =	vst v63  }
0xc5: {  	s3 =	rddreg [dreg:$0x3];
	s1 =	sadd.s32 @!p0 $0x280, s2;
	s14 =	simm.s32 @!p0 $0x4600  }
0xc6: {  	[tilespmem:s14], [sflag:$0x1] =	stream.indirect.gather @!p0 [hbm4b:s3+s6], $0x80, s1, s6, $0xb8;
	[tilespmem:$0x18800] =	vst v63  }
0xc7: {  	s14 =	simm.s32 @!p0 $0x5600;
	s3 =	rddreg [dreg:$0x4]  }
0xc8: {  	[tilespmem:s14], [sflag:$0x1] =	stream.indirect.gather @!p0 [hbm4b:s3+s6], $0x80, s1, s6, $0xb8;
	[tilespmem:$0x18800] =	vst v63  }
0xc9: {  	s6 =	simm.s32 $0x2  }
0xca: {  	_ =	swait.ge [sflag:s6], $0x1000  }
0xcb: {  	[sflag:s6] =	ssyncset.done $0x0  }
0xcc: {  	[sflag:s6] =	ssyncadd.s32 $0xFFFFF000  }
0xcd: {  	_ =	swait.ge [sflag:s6], $0x1000  }
0xce: {  	[sflag:s6] =	ssyncset.done $0x0  }
0xcf: {  	[sflag:s6] =	ssyncadd.s32 $0xFFFFF000  }
0xd0: {  	_ =	swait.ge [sflag:s6], $0x1000  }
0xd1: {  	[sflag:s6] =	ssyncset.done $0x0  }
0xd2: {  	[sflag:s6] =	ssyncadd.s32 $0xFFFFF000  }
0xd3: {  	_ =	swait.ge [sflag:s6], $0x1000  }
0xd4: {  	s14 =	simm.s32 $0x0;
	[sflag:s6] =	ssyncset.done $0x0  }
0xd5: {  	v3 =	vadd.s32 s14, v1;
	[sflag:s6] =	ssyncadd.s32 $0xFFFFF000  }
0xd6: {  	v3 =	vand.u32 $0x7F, v3;
	_ =	swait.ge [sflag:s6], $0x1000  }
0xd7: {  	v4 =	vor.u32 v2, v3;
	[sflag:s6] =	ssyncset.done $0x0  }
0xd8: {  	[sflag:s6] =	ssyncadd.s32 $0xFFFFF000  }
0xd9: {  	_ =	swait.ge [sflag:s6], $0x1000  }
0xda: {  	[sflag:s6] =	ssyncset.done $0x0  }
0xdb: {  	[sflag:s6] =	ssyncadd.s32 $0xFFFFF000  }
0xdc: {  	v3 =	vor.u32 v0, v3;
	v5 =	vld.idx.msk [tilespmem:v4+s22+$0x0], $0xffff  }
0xdd: {  	v6 =	vld.idx.msk [tilespmem:v4+s23+$0x0], $0xffff  }
0xde: {  	v7 =	vld.idx.msk [tilespmem:v4+s26+$0x0], $0xffff  }
0xdf: {  	v8 =	vld.idx.msk [tilespmem:v4+s25+$0x0], $0xffff  }
0xe0: {  	s4 =	simm.s32 $0x1;
	v9 =	vld.idx.msk [tilespmem:v4+s30+$0x0], $0xffff  }
0xe1: {  	v10 =	vadd.s32 s4, v1;
	v11 =	vld.idx.msk [tilespmem:v3+s23+$0x0], $0xffff  }
0xe2: {  	v10 =	vand.u32 $0x7F, v10;
	v4 =	vld.idx.msk [tilespmem:v4+s29+$0x0], $0xffff  }
0xe3: {  	v12 =	vor.u32 v2, v10;
	v13 =	vld.idx.msk [tilespmem:v3+s26+$0x0], $0xffff  }
0xe4: {  	v14 =	vld.idx.msk [tilespmem:v3+s22+$0x0], $0xffff  }
0xe5: {  	v15 =	vld.idx.msk [tilespmem:v3+s25+$0x0], $0xffff  }
0xe6: {  	v16 =	vld.idx.msk [tilespmem:v3+s30+$0x0], $0xffff  }
0xe7: {  	v3 =	vld.idx.msk [tilespmem:v3+s29+$0x0], $0xffff;
	v6 =	vadd.f32 v7, v6  }
0xe8: {  	v17 =	vld.idx.msk [tilespmem:v12+s23+$0x0], $0xffff  }
0xe9: {  	v21 =	vld.idx.msk [tilespmem:v12+s30+$0x0], $0xffff;
	v7 =	vor.u32 v0, v10;
	v5 =	vsub.f32 v8, v5;
	v8 =	vmul.f32 v9, v6  }
0xea: {  	v10 =	vld.idx.msk [tilespmem:v12+s22+$0x0], $0xffff  }
0xeb: {  	v4 =	vsub.f32 v4, v5;
	v5 =	vld.idx.msk [tilespmem:v12+s26+$0x0], $0xffff;
	(erf) = vrcp.f32 v8  }
0xec: {  	s6 =	simm.s32 $0x2;
	v11 =	vadd.f32 v13, v11;
	v13 =	vsub.f32 v15, v14;
	v8 =	vld.idx.msk [tilespmem:v12+s25+$0x0], $0xffff  }
0xed: {  	v15 =	vadd.s32 s6, v1;
	v4 =	vmul.f32 v4, v4;
	v12 =	vld.idx.msk [tilespmem:v12+s29+$0x0], $0xffff  }
0xee: {  	v15 =	vand.u32 $0x7F, v15;
	v14 =	vmul.f32 v16, v11;
	v3 =	vsub.f32 v3, v13;
	v18 =	vld.idx.msk [tilespmem:v7+s23+$0x0], $0xffff  }
0xef: {  	v20 =	vor.u32 v2, v15;
	v13 =	vld.idx.msk [tilespmem:v7+s26+$0x0], $0xffff;
	v19 =	vadd.f32 v4, v6;
	v4 =	vadd.f32 v4, v9  }
0xf0: {  	v3 =	vmul.f32 v3, v3;
	(erf) = vrcp.f32 v14;
	v22 =	vld.idx.msk [tilespmem:v7+s25+$0x0], $0xffff;
	v17 =	vadd.f32 v5, v17  }
0xf1: {  	v6 =	vmul.f32 v19, v6;
	v4 =	vmul.f32 v4, v9;
	v19 =	vld.idx.msk [tilespmem:v7+s22+$0x0], $0xffff;
	v5 =	vsub.f32 v8, v10  }
0xf2: {  	v14 =	vadd.f32 v3, v11;
	v8 =	vor.u32 v0, v15;
	v10 =	vld.idx.msk [tilespmem:v7+s29+$0x0], $0xffff;
	v15 =	vmul.f32 v21, v17  }
0xf3: {  	v4 =	vadd.f32 v4, v6;
	v6 =	vld.idx.msk [tilespmem:v7+s30+$0x0], $0xffff;
	v23 =	vsub.f32 v12, v5  }
0xf4: {  	v3 =	vadd.f32 v3, v16;
	v11 =	vmul.f32 v14, v11;
	v14 =	vld.idx.msk [tilespmem:v20+s26+$0x0], $0xffff;
	v9 =	vpop (erf);
	(erf) = vrcp.f32 v15  }
0xf5: {  	s14 =	simm.s32 $0x3;
	v12 =	vld.idx.msk [tilespmem:v20+s23+$0x0], $0xffff;
	v5 =	vadd.f32 v13, v18;
	v18 =	vmul.f32 v23, v23  }
0xf6: {  	v63 =	vadd.s32 s14, v1;
	v16 =	vmul.f32 v3, v16;
	v13 =	vld.idx.msk [tilespmem:v20+s25+$0x0], $0xffff;
	v15 =	vsub.f32 v22, v19  }
0xf7: {  	v7 =	vimm.f32 $0.0e+00;
	v4 =	vmul.f32 v4, v9;
	v9 =	vld.idx.msk [tilespmem:v20+s22+$0x0], $0xffff;
	v23 =	vadd.f32 v18, v17  }
0xf8: {  	v22 =	vmul.f32 v6, v5;
	v62 =	vadd.f32 v18, v21;
	v19 =	vsub.f32 v10, v15;
	v15 =	vld.idx.msk [tilespmem:v20+s29+$0x0], $0xffff  }
0xf9: {  	v16 =	vadd.f32 v16, v11;
	v3 =	vadd.f32 v4, v7;
	v4 =	vld.idx.msk [tilespmem:v20+s30+$0x0], $0xffff;
	v20 =	vmul.f32 v23, v17  }
0xfa: {  	v11 =	vld.idx.msk [tilespmem:v8+s23+$0x0], $0xffff;
	v10 =	vand.u32 $0x7F, v63;
	v18 =	vpop (erf);
	v21 =	vmul.f32 v62, v21;
	(erf) = vrcp.f32 v22  }
0xfb: {  	s1 =	simm.s32 $0x4;
	v17 =	vld.idx.msk [tilespmem:v8+s26+$0x0], $0xffff;
	v18 =	vmul.f32 v16, v18;
	v16 =	vor.u32 v0, v10;
	v10 =	vor.u32 v2, v10  }
.LBB2_5:
0xfc: {  	p1 =	sne.s32 s1, $0x7F;
	v22 =	vld.idx.msk [tilespmem:v8+s22+$0x0], $0xffff;
	v23 =	vadd.f32 v14, v12;
	v12 =	vmul.f32 v19, v19;
	v14 =	vadd.f32 v21, v20  }
0xfd: {  	v7 =	vadd.f32 v18, v7;
	v19 =	vld.idx.msk [tilespmem:v8+s25+$0x0], $0xffff;
	v20 =	vpop (erf)  }
0xfe: {  	v13 =	vsub.f32 v13, v9;
	v21 =	vld.idx.msk [tilespmem:v8+s30+$0x0], $0xffff;
	v18 =	vmul.f32 v4, v23;
	v14 =	vmul.f32 v14, v20  }
0xff: {  	v26 =	vmovc v4;
	v24 =	vadd.f32 v12, v5;
	v25 =	vadd.f32 v12, v6;
	v20 =	vld.idx.msk [tilespmem:v8+s29+$0x0], $0xffff;
	v8 =	vmov v16  }
0x100: {  	v4 =	vsub.f32 v15, v13;
	v9 =	vld.idx.msk [tilespmem:v10+s22+$0x0], $0xffff;
	(erf) = vrcp.f32 v18;
	v3 =	vadd.f32 v14, v3  }
0x101: {  	v18 =	vmul.f32 v24, v5;
	v5 =	vadd.f32 v17, v11;
	v6 =	vmul.f32 v25, v6;
	v12 =	vld.idx.msk [tilespmem:v10+s23+$0x0], $0xffff  }
0x102: {  	v11 =	vmul.f32 v4, v4;
	v14 =	vld.idx.msk [tilespmem:v10+s26+$0x0], $0xffff  }
.Ltmp1:
0x103: {  	v16 =	vsub.f32 v19, v22;
	v27 =	vadd.f32 v6, v18;
	v13 =	vld.idx.msk [tilespmem:v10+s25+$0x0], $0xffff;
	(pc) =	sbr.rel @p1 .LBB2_5-.Ltmp1, $4  }
0x104: {  	v22 =	vmul.f32 v21, v5;
	v17 =	vadd.f32 v11, v23;
	v24 =	vadd.f32 v11, v26;
	v4 =	vld.idx.msk [tilespmem:v10+s30+$0x0], $0xffff;
	v15 =	vpop (erf)  }
0x105: {  	v25 =	vadd.s32 s1, v1;
	v19 =	vsub.f32 v20, v16;
	v6 =	vmovc v21;
	v11 =	vld.idx.msk [tilespmem:v8+s23+$0x0], $0xffff;
	v18 =	vmul.f32 v27, v15  }
0x106: {  	v25 =	vand.u32 $0x7F, v25;
	v20 =	vmul.f32 v17, v23;
	v21 =	vmul.f32 v24, v26;
	v15 =	vld.idx.msk [tilespmem:v10+s29+$0x0], $0xffff  }
0x107: {  	s1 =	sadd.s32 $0x1, s1;
	v16 =	vor.u32 v0, v25;
	v10 =	vor.u32 v2, v25;
	v17 =	vld.idx.msk [tilespmem:v8+s26+$0x0], $0xffff;
	(erf) = vrcp.f32 v22  }
0x108: {  	_ =	sdelay $0x3  }
0x109: {  	v22 =	vld.idx.msk [tilespmem:v8+s22+$0x0], $0xffff  }
0x10a: {  	v23 =	vld.idx.msk [tilespmem:v8+s25+$0x0], $0xffff  }
0x10b: {  	v24 =	vld.idx.msk [tilespmem:v8+s30+$0x0], $0xffff  }
0x10c: {  	v8 =	vld.idx.msk [tilespmem:v8+s29+$0x0], $0xffff  }
0x10d: {  	v25 =	vld.idx.msk [tilespmem:v10+s22+$0x0], $0xffff  }
0x10e: {  	v26 =	vld.idx.msk [tilespmem:v10+s23+$0x0], $0xffff  }
0x10f: {  	v27 =	vld.idx.msk [tilespmem:v10+s26+$0x0], $0xffff  }
0x110: {  	v28 =	vld.idx.msk [tilespmem:v10+s30+$0x0], $0xffff  }
0x111: {  	v29 =	vld.idx.msk [tilespmem:v16+s23+$0x0], $0xffff  }
0x112: {  	v12 =	vadd.f32 v14, v12;
	v14 =	vmul.f32 v19, v19;
	v19 =	vadd.f32 v21, v20;
	v20 =	vld.idx.msk [tilespmem:v16+s26+$0x0], $0xffff  }
0x113: {  	v9 =	vsub.f32 v13, v9;
	v13 =	vld.idx.msk [tilespmem:v16+s22+$0x0], $0xffff  }
0x114: {  	v7 =	vadd.f32 v18, v7;
	v30 =	vld.idx.msk [tilespmem:v16+s25+$0x0], $0xffff;
	v21 =	vadd.f32 v14, v5  }
0x115: {  	v18 =	vpop (erf);
	v14 =	vadd.f32 v14, v6;
	v9 =	vsub.f32 v15, v9;
	v15 =	vld.idx.msk [tilespmem:v16+s30+$0x0], $0xffff  }
0x116: {  	v18 =	vmul.f32 v19, v18;
	v19 =	vmul.f32 v4, v12;
	v16 =	vld.idx.msk [tilespmem:v16+s29+$0x0], $0xffff  }
0x117: {  	v11 =	vadd.f32 v17, v11;
	v5 =	vmul.f32 v21, v5;
	v6 =	vmul.f32 v14, v6;
	v14 =	vld.idx.msk [tilespmem:v10+s25+$0x0], $0xffff  }
0x118: {  	(erf) = vrcp.f32 v19;
	v17 =	vsub.f32 v23, v22;
	v19 =	vadd.f32 v27, v26  }
0x119: {  	v10 =	vld.idx.msk [tilespmem:v10+s29+$0x0], $0xffff;
	v5 =	vadd.f32 v6, v5;
	v6 =	vadd.f32 v20, v29;
	v20 =	vmul.f32 v24, v11  }
0x11a: {  	v9 =	vmul.f32 v9, v9;
	v13 =	vsub.f32 v30, v13  }
0x11b: {  	v8 =	vsub.f32 v8, v17;
	v17 =	vmul.f32 v28, v19;
	(erf) = vrcp.f32 v20  }
0x11c: {  	v20 =	vmul.f32 v15, v6;
	v13 =	vsub.f32 v16, v13;
	v14 =	vsub.f32 v14, v25  }
0x11d: {  	v8 =	vmul.f32 v8, v8;
	(erf) = vrcp.f32 v17;
	v17 =	vadd.f32 v9, v12  }
0x11e: {  	v9 =	vadd.f32 v9, v4;
	v13 =	vmul.f32 v13, v13;
	v10 =	vsub.f32 v10, v14  }
0x11f: {  	v21 =	vpop (erf);
	(erf) = vrcp.f32 v20;
	v16 =	vadd.f32 v8, v11;
	v8 =	vadd.f32 v8, v24  }
0x120: {  	v12 =	vmul.f32 v17, v12;
	v14 =	vadd.f32 v13, v6;
	v10 =	vmul.f32 v10, v10  }
0x121: {  	v13 =	vadd.f32 v13, v15;
	v11 =	vmul.f32 v16, v11;
	v8 =	vmul.f32 v8, v24  }
0x122: {  	v4 =	vmul.f32 v9, v4;
	v9 =	vadd.f32 v10, v19;
	v10 =	vadd.f32 v10, v28  }
0x123: {  	v5 =	vmul.f32 v5, v21;
	v8 =	vadd.f32 v8, v11  }
0x124: {  	v4 =	vadd.f32 v4, v12;
	v9 =	vmul.f32 v9, v19;
	v10 =	vmul.f32 v10, v28  }
0x125: {  	v6 =	vmul.f32 v14, v6;
	v16 =	vpop (erf);
	v11 =	vmul.f32 v13, v15  }
0x126: {  	v3 =	vadd.f32 v18, v3;
	v4 =	vmul.f32 v4, v16;
	v13 =	vpop (erf);
	v9 =	vadd.f32 v10, v9  }
0x127: {  	v5 =	vadd.f32 v5, v7;
	v6 =	vadd.f32 v11, v6;
	v7 =	vmul.f32 v8, v13;
	v8 =	vpop (erf)  }
0x128: {  	v3 =	vadd.f32 v4, v3;
	v10 =	vpop (erf);
	v4 =	vmul.f32 v9, v8  }
0x129: {  	v5 =	vadd.f32 v7, v5;
	v6 =	vmul.f32 v6, v10  }
0x12a: {  	v3 =	vadd.f32 v4, v3  }
0x12b: {  	v5 =	vadd.f32 v6, v5  }
0x12c: {  	v3 =	vadd.f32 $-2.560000000e+02, v3  }
0x12d: {  	v4 =	vadd.f32 $-2.560000000e+02, v5  }
0x12e: {  	v3 =	vmul.f32 $2.500000000e-01, v3  }
0x12f: {  	v4 =	vmul.f32 $2.500000000e-01, v4  }
0x130: {  	s1 =	sadd.s32 @!p0 $0xA0, s2;
	[tilespmem:s2+$0x18630] =	vst v3  }
0x131: {  	s6 =	simm.s32 @!p0 $0x20;
	s14 =	simm.s32 @!p0 $0x6600;
	s3 =	rddreg [dreg:$0x1];
	[tilespmem:s2+$0x18620] =	vst v4  }
0x132: {  	[tilespmem:s14], [sflag:$0x2] =	stream.indirect.gather @!p0 [hbm4b:s3+s6], $0x80, s1, s6, $0xb8;
	[tilespmem:$0x18800] =	vst v63  }
0x133: {  	s4 =	rddreg [dreg:$0x2];
	s14 =	simm.s32 @!p0 $0x7600  }
0x134: {  	[tilespmem:s14], [sflag:$0x2] =	stream.indirect.gather @!p0 [hbm4b:s4+s6], $0x80, s1, s6, $0xb8;
	[tilespmem:$0x18800] =	vst v63  }
0x135: {  	s1 =	sadd.s32 @!p0 $0x4A0, s2;
	s14 =	simm.s32 @!p0 $0x8600  }
0x136: {  	[tilespmem:s14], [sflag:$0x2] =	stream.indirect.gather @!p0 [hbm4b:s3+s6], $0x80, s1, s6, $0xb8;
	[tilespmem:$0x18800] =	vst v63  }
0x137: {  	s14 =	simm.s32 @!p0 $0x9600  }
0x138: {  	[tilespmem:s14], [sflag:$0x2] =	stream.indirect.gather @!p0 [hbm4b:s4+s6], $0x80, s1, s6, $0xb8;
	[tilespmem:$0x18800] =	vst v63  }
0x139: {  	s3 =	rddreg [dreg:$0x3];
	s1 =	sadd.s32 @!p0 $0x2A0, s2;
	s14 =	simm.s32 @!p0 $0xA600  }
0x13a: {  	[tilespmem:s14], [sflag:$0x2] =	stream.indirect.gather @!p0 [hbm4b:s3+s6], $0x80, s1, s6, $0xb8;
	[tilespmem:$0x18800] =	vst v63  }
0x13b: {  	s14 =	simm.s32 @!p0 $0xB600;
	s3 =	rddreg [dreg:$0x4]  }
0x13c: {  	[tilespmem:s14], [sflag:$0x2] =	stream.indirect.gather @!p0 [hbm4b:s3+s6], $0x80, s1, s6, $0xb8;
	[tilespmem:$0x18800] =	vst v63  }
0x13d: {  	s6 =	simm.s32 $0x3  }
0x13e: {  	_ =	swait.ge [sflag:s6], $0x1000  }
0x13f: {  	[sflag:s6] =	ssyncset.done $0x0  }
0x140: {  	[sflag:s6] =	ssyncadd.s32 $0xFFFFF000  }
0x141: {  	_ =	swait.ge [sflag:s6], $0x1000  }
0x142: {  	[sflag:s6] =	ssyncset.done $0x0  }
0x143: {  	[sflag:s6] =	ssyncadd.s32 $0xFFFFF000  }
0x144: {  	_ =	swait.ge [sflag:s6], $0x1000  }
0x145: {  	[sflag:s6] =	ssyncset.done $0x0  }
0x146: {  	[sflag:s6] =	ssyncadd.s32 $0xFFFFF000  }
0x147: {  	_ =	swait.ge [sflag:s6], $0x1000  }
0x148: {  	s14 =	simm.s32 $0x0;
	[sflag:s6] =	ssyncset.done $0x0  }
0x149: {  	v3 =	vadd.s32 s14, v1;
	[sflag:s6] =	ssyncadd.s32 $0xFFFFF000  }
0x14a: {  	v3 =	vand.u32 $0x7F, v3;
	_ =	swait.ge [sflag:s6], $0x1000  }
0x14b: {  	v4 =	vor.u32 v2, v3;
	[sflag:s6] =	ssyncset.done $0x0  }
0x14c: {  	[sflag:s6] =	ssyncadd.s32 $0xFFFFF000  }
0x14d: {  	_ =	swait.ge [sflag:s6], $0x1000  }
0x14e: {  	[sflag:s6] =	ssyncset.done $0x0  }
0x14f: {  	[sflag:s6] =	ssyncadd.s32 $0xFFFFF000  }
0x150: {  	v3 =	vor.u32 v0, v3;
	v5 =	vld.idx.msk [tilespmem:v4+s0+$0x0], $0xffff  }
0x151: {  	v6 =	vld.idx.msk [tilespmem:v4+s5+$0x0], $0xffff  }
0x152: {  	v7 =	vld.idx.msk [tilespmem:v4+s28+$0x0], $0xffff  }
0x153: {  	v8 =	vld.idx.msk [tilespmem:v4+s7+$0x0], $0xffff  }
0x154: {  	s4 =	simm.s32 $0x1;
	v9 =	vld.idx.msk [tilespmem:v4+s10+$0x0], $0xffff  }
0x155: {  	v10 =	vadd.s32 s4, v1;
	v11 =	vld.idx.msk [tilespmem:v3+s5+$0x0], $0xffff  }
0x156: {  	v10 =	vand.u32 $0x7F, v10;
	v4 =	vld.idx.msk [tilespmem:v4+s9+$0x0], $0xffff  }
0x157: {  	v12 =	vor.u32 v2, v10;
	v13 =	vld.idx.msk [tilespmem:v3+s28+$0x0], $0xffff  }
0x158: {  	v14 =	vld.idx.msk [tilespmem:v3+s0+$0x0], $0xffff  }
0x159: {  	v15 =	vld.idx.msk [tilespmem:v3+s7+$0x0], $0xffff  }
0x15a: {  	v16 =	vld.idx.msk [tilespmem:v3+s10+$0x0], $0xffff  }
0x15b: {  	v3 =	vld.idx.msk [tilespmem:v3+s9+$0x0], $0xffff;
	v6 =	vadd.f32 v7, v6  }
0x15c: {  	v17 =	vld.idx.msk [tilespmem:v12+s5+$0x0], $0xffff  }
0x15d: {  	v21 =	vld.idx.msk [tilespmem:v12+s10+$0x0], $0xffff;
	v7 =	vor.u32 v0, v10;
	v5 =	vsub.f32 v8, v5;
	v8 =	vmul.f32 v9, v6  }
0x15e: {  	v10 =	vld.idx.msk [tilespmem:v12+s0+$0x0], $0xffff  }
0x15f: {  	v4 =	vsub.f32 v4, v5;
	v5 =	vld.idx.msk [tilespmem:v12+s28+$0x0], $0xffff;
	(erf) = vrcp.f32 v8  }
0x160: {  	s6 =	simm.s32 $0x2;
	v11 =	vadd.f32 v13, v11;
	v13 =	vsub.f32 v15, v14;
	v8 =	vld.idx.msk [tilespmem:v12+s7+$0x0], $0xffff  }
0x161: {  	v15 =	vadd.s32 s6, v1;
	v4 =	vmul.f32 v4, v4;
	v12 =	vld.idx.msk [tilespmem:v12+s9+$0x0], $0xffff  }
0x162: {  	v15 =	vand.u32 $0x7F, v15;
	v14 =	vmul.f32 v16, v11;
	v3 =	vsub.f32 v3, v13;
	v18 =	vld.idx.msk [tilespmem:v7+s5+$0x0], $0xffff  }
0x163: {  	v20 =	vor.u32 v2, v15;
	v13 =	vld.idx.msk [tilespmem:v7+s28+$0x0], $0xffff;
	v19 =	vadd.f32 v4, v6;
	v4 =	vadd.f32 v4, v9  }
0x164: {  	v3 =	vmul.f32 v3, v3;
	(erf) = vrcp.f32 v14;
	v22 =	vld.idx.msk [tilespmem:v7+s7+$0x0], $0xffff;
	v17 =	vadd.f32 v5, v17  }
0x165: {  	v6 =	vmul.f32 v19, v6;
	v4 =	vmul.f32 v4, v9;
	v19 =	vld.idx.msk [tilespmem:v7+s0+$0x0], $0xffff;
	v5 =	vsub.f32 v8, v10  }
0x166: {  	v14 =	vadd.f32 v3, v11;
	v8 =	vor.u32 v0, v15;
	v10 =	vld.idx.msk [tilespmem:v7+s9+$0x0], $0xffff;
	v15 =	vmul.f32 v21, v17  }
0x167: {  	v4 =	vadd.f32 v4, v6;
	v6 =	vld.idx.msk [tilespmem:v7+s10+$0x0], $0xffff;
	v23 =	vsub.f32 v12, v5  }
0x168: {  	v3 =	vadd.f32 v3, v16;
	v11 =	vmul.f32 v14, v11;
	v14 =	vld.idx.msk [tilespmem:v20+s28+$0x0], $0xffff;
	v9 =	vpop (erf);
	(erf) = vrcp.f32 v15  }
0x169: {  	s14 =	simm.s32 $0x3;
	v12 =	vld.idx.msk [tilespmem:v20+s5+$0x0], $0xffff;
	v5 =	vadd.f32 v13, v18;
	v18 =	vmul.f32 v23, v23  }
0x16a: {  	v63 =	vadd.s32 s14, v1;
	v16 =	vmul.f32 v3, v16;
	v13 =	vld.idx.msk [tilespmem:v20+s7+$0x0], $0xffff;
	v15 =	vsub.f32 v22, v19  }
0x16b: {  	v7 =	vimm.f32 $0.0e+00;
	v4 =	vmul.f32 v4, v9;
	v9 =	vld.idx.msk [tilespmem:v20+s0+$0x0], $0xffff;
	v23 =	vadd.f32 v18, v17  }
0x16c: {  	v22 =	vmul.f32 v6, v5;
	v62 =	vadd.f32 v18, v21;
	v19 =	vsub.f32 v10, v15;
	v15 =	vld.idx.msk [tilespmem:v20+s9+$0x0], $0xffff  }
0x16d: {  	v16 =	vadd.f32 v16, v11;
	v3 =	vadd.f32 v4, v7;
	v4 =	vld.idx.msk [tilespmem:v20+s10+$0x0], $0xffff;
	v20 =	vmul.f32 v23, v17  }
0x16e: {  	v11 =	vld.idx.msk [tilespmem:v8+s5+$0x0], $0xffff;
	v10 =	vand.u32 $0x7F, v63;
	v18 =	vpop (erf);
	v21 =	vmul.f32 v62, v21;
	(erf) = vrcp.f32 v22  }
0x16f: {  	s1 =	simm.s32 $0x4;
	v17 =	vld.idx.msk [tilespmem:v8+s28+$0x0], $0xffff;
	v18 =	vmul.f32 v16, v18;
	v16 =	vor.u32 v0, v10;
	v10 =	vor.u32 v2, v10  }
.LBB2_7:
0x170: {  	p1 =	sne.s32 s1, $0x7F;
	v22 =	vld.idx.msk [tilespmem:v8+s0+$0x0], $0xffff;
	v23 =	vadd.f32 v14, v12;
	v12 =	vmul.f32 v19, v19;
	v14 =	vadd.f32 v21, v20  }
0x171: {  	v7 =	vadd.f32 v18, v7;
	v19 =	vld.idx.msk [tilespmem:v8+s7+$0x0], $0xffff;
	v20 =	vpop (erf)  }
0x172: {  	v13 =	vsub.f32 v13, v9;
	v21 =	vld.idx.msk [tilespmem:v8+s10+$0x0], $0xffff;
	v18 =	vmul.f32 v4, v23;
	v14 =	vmul.f32 v14, v20  }
0x173: {  	v26 =	vmovc v4;
	v24 =	vadd.f32 v12, v5;
	v25 =	vadd.f32 v12, v6;
	v20 =	vld.idx.msk [tilespmem:v8+s9+$0x0], $0xffff;
	v8 =	vmov v16  }
0x174: {  	v4 =	vsub.f32 v15, v13;
	v9 =	vld.idx.msk [tilespmem:v10+s0+$0x0], $0xffff;
	(erf) = vrcp.f32 v18;
	v3 =	vadd.f32 v14, v3  }
0x175: {  	v18 =	vmul.f32 v24, v5;
	v5 =	vadd.f32 v17, v11;
	v6 =	vmul.f32 v25, v6;
	v12 =	vld.idx.msk [tilespmem:v10+s5+$0x0], $0xffff  }
0x176: {  	v11 =	vmul.f32 v4, v4;
	v14 =	vld.idx.msk [tilespmem:v10+s28+$0x0], $0xffff  }
.Ltmp2:
0x177: {  	v16 =	vsub.f32 v19, v22;
	v27 =	vadd.f32 v6, v18;
	v13 =	vld.idx.msk [tilespmem:v10+s7+$0x0], $0xffff;
	(pc) =	sbr.rel @p1 .LBB2_7-.Ltmp2, $4  }
0x178: {  	v22 =	vmul.f32 v21, v5;
	v17 =	vadd.f32 v11, v23;
	v24 =	vadd.f32 v11, v26;
	v4 =	vld.idx.msk [tilespmem:v10+s10+$0x0], $0xffff;
	v15 =	vpop (erf)  }
0x179: {  	v25 =	vadd.s32 s1, v1;
	v19 =	vsub.f32 v20, v16;
	v6 =	vmovc v21;
	v11 =	vld.idx.msk [tilespmem:v8+s5+$0x0], $0xffff;
	v18 =	vmul.f32 v27, v15  }
0x17a: {  	v25 =	vand.u32 $0x7F, v25;
	v20 =	vmul.f32 v17, v23;
	v21 =	vmul.f32 v24, v26;
	v15 =	vld.idx.msk [tilespmem:v10+s9+$0x0], $0xffff  }
0x17b: {  	s1 =	sadd.s32 $0x1, s1;
	v16 =	vor.u32 v0, v25;
	v10 =	vor.u32 v2, v25;
	v17 =	vld.idx.msk [tilespmem:v8+s28+$0x0], $0xffff;
	(erf) = vrcp.f32 v22  }
0x17c: {  	_ =	sdelay $0x3  }
0x17d: {  	v22 =	vld.idx.msk [tilespmem:v8+s0+$0x0], $0xffff  }
0x17e: {  	v23 =	vld.idx.msk [tilespmem:v8+s7+$0x0], $0xffff  }
0x17f: {  	v24 =	vld.idx.msk [tilespmem:v8+s10+$0x0], $0xffff  }
0x180: {  	v8 =	vld.idx.msk [tilespmem:v8+s9+$0x0], $0xffff  }
0x181: {  	v25 =	vld.idx.msk [tilespmem:v10+s0+$0x0], $0xffff  }
0x182: {  	v26 =	vld.idx.msk [tilespmem:v10+s5+$0x0], $0xffff  }
0x183: {  	v27 =	vld.idx.msk [tilespmem:v10+s28+$0x0], $0xffff  }
0x184: {  	v28 =	vld.idx.msk [tilespmem:v10+s10+$0x0], $0xffff  }
0x185: {  	v29 =	vld.idx.msk [tilespmem:v16+s5+$0x0], $0xffff  }
0x186: {  	v12 =	vadd.f32 v14, v12;
	v14 =	vmul.f32 v19, v19;
	v19 =	vadd.f32 v21, v20;
	v20 =	vld.idx.msk [tilespmem:v16+s28+$0x0], $0xffff  }
0x187: {  	v9 =	vsub.f32 v13, v9;
	v13 =	vld.idx.msk [tilespmem:v16+s0+$0x0], $0xffff  }
0x188: {  	v7 =	vadd.f32 v18, v7;
	v30 =	vld.idx.msk [tilespmem:v16+s7+$0x0], $0xffff;
	v21 =	vadd.f32 v14, v5  }
0x189: {  	v18 =	vpop (erf);
	v14 =	vadd.f32 v14, v6;
	v9 =	vsub.f32 v15, v9;
	v15 =	vld.idx.msk [tilespmem:v16+s10+$0x0], $0xffff  }
0x18a: {  	v18 =	vmul.f32 v19, v18;
	v19 =	vmul.f32 v4, v12;
	v16 =	vld.idx.msk [tilespmem:v16+s9+$0x0], $0xffff  }
0x18b: {  	v11 =	vadd.f32 v17, v11;
	v5 =	vmul.f32 v21, v5;
	v6 =	vmul.f32 v14, v6;
	v14 =	vld.idx.msk [tilespmem:v10+s7+$0x0], $0xffff  }
0x18c: {  	(erf) = vrcp.f32 v19;
	v17 =	vsub.f32 v23, v22;
	v19 =	vadd.f32 v27, v26  }
0x18d: {  	v10 =	vld.idx.msk [tilespmem:v10+s9+$0x0], $0xffff;
	v5 =	vadd.f32 v6, v5;
	v6 =	vadd.f32 v20, v29;
	v20 =	vmul.f32 v24, v11  }
0x18e: {  	v9 =	vmul.f32 v9, v9;
	v13 =	vsub.f32 v30, v13  }
0x18f: {  	v8 =	vsub.f32 v8, v17;
	v17 =	vmul.f32 v28, v19;
	(erf) = vrcp.f32 v20  }
0x190: {  	v20 =	vmul.f32 v15, v6;
	v13 =	vsub.f32 v16, v13;
	v14 =	vsub.f32 v14, v25  }
0x191: {  	v8 =	vmul.f32 v8, v8;
	(erf) = vrcp.f32 v17;
	v17 =	vadd.f32 v9, v12  }
0x192: {  	v9 =	vadd.f32 v9, v4;
	v13 =	vmul.f32 v13, v13;
	v10 =	vsub.f32 v10, v14  }
0x193: {  	v21 =	vpop (erf);
	(erf) = vrcp.f32 v20;
	v16 =	vadd.f32 v8, v11;
	v8 =	vadd.f32 v8, v24  }
0x194: {  	v12 =	vmul.f32 v17, v12;
	v14 =	vadd.f32 v13, v6;
	v10 =	vmul.f32 v10, v10  }
0x195: {  	v13 =	vadd.f32 v13, v15;
	v11 =	vmul.f32 v16, v11;
	v8 =	vmul.f32 v8, v24  }
0x196: {  	v4 =	vmul.f32 v9, v4;
	v9 =	vadd.f32 v10, v19;
	v10 =	vadd.f32 v10, v28  }
0x197: {  	v5 =	vmul.f32 v5, v21;
	v8 =	vadd.f32 v8, v11  }
0x198: {  	v4 =	vadd.f32 v4, v12;
	v9 =	vmul.f32 v9, v19;
	v10 =	vmul.f32 v10, v28  }
0x199: {  	v6 =	vmul.f32 v14, v6;
	v16 =	vpop (erf);
	v11 =	vmul.f32 v13, v15  }
0x19a: {  	v3 =	vadd.f32 v18, v3;
	v4 =	vmul.f32 v4, v16;
	v13 =	vpop (erf);
	v9 =	vadd.f32 v10, v9  }
0x19b: {  	v5 =	vadd.f32 v5, v7;
	v6 =	vadd.f32 v11, v6;
	v7 =	vmul.f32 v8, v13;
	v8 =	vpop (erf)  }
0x19c: {  	v3 =	vadd.f32 v4, v3;
	v10 =	vpop (erf);
	v4 =	vmul.f32 v9, v8  }
0x19d: {  	v5 =	vadd.f32 v7, v5;
	v6 =	vmul.f32 v6, v10  }
0x19e: {  	v3 =	vadd.f32 v4, v3  }
0x19f: {  	v5 =	vadd.f32 v6, v5  }
0x1a0: {  	v3 =	vadd.f32 $-2.560000000e+02, v3  }
0x1a1: {  	v4 =	vadd.f32 $-2.560000000e+02, v5  }
0x1a2: {  	v3 =	vmul.f32 $2.500000000e-01, v3  }
0x1a3: {  	v4 =	vmul.f32 $2.500000000e-01, v4  }
0x1a4: {  	s1 =	sadd.s32 @!p0 $0xC0, s2;
	[tilespmem:s2+$0x18650] =	vst v3  }
0x1a5: {  	s6 =	simm.s32 @!p0 $0x20;
	s14 =	simm.s32 @!p0 $0xC600;
	s3 =	rddreg [dreg:$0x1];
	[tilespmem:s2+$0x18640] =	vst v4  }
0x1a6: {  	[tilespmem:s14], [sflag:$0x3] =	stream.indirect.gather @!p0 [hbm4b:s3+s6], $0x80, s1, s6, $0xb8;
	[tilespmem:$0x18800] =	vst v63  }
0x1a7: {  	s4 =	rddreg [dreg:$0x2];
	s14 =	simm.s32 @!p0 $0xD600  }
0x1a8: {  	[tilespmem:s14], [sflag:$0x3] =	stream.indirect.gather @!p0 [hbm4b:s4+s6], $0x80, s1, s6, $0xb8;
	[tilespmem:$0x18800] =	vst v63  }
0x1a9: {  	s1 =	sadd.s32 @!p0 $0x4C0, s2;
	s14 =	simm.s32 @!p0 $0xE600  }
0x1aa: {  	[tilespmem:s14], [sflag:$0x3] =	stream.indirect.gather @!p0 [hbm4b:s3+s6], $0x80, s1, s6, $0xb8;
	[tilespmem:$0x18800] =	vst v63  }
0x1ab: {  	s14 =	simm.s32 @!p0 $0xF600  }
0x1ac: {  	[tilespmem:s14], [sflag:$0x3] =	stream.indirect.gather @!p0 [hbm4b:s4+s6], $0x80, s1, s6, $0xb8;
	[tilespmem:$0x18800] =	vst v63  }
0x1ad: {  	s3 =	rddreg [dreg:$0x3];
	s1 =	sadd.s32 @!p0 $0x2C0, s2;
	s2 =	simm.s32 @!p0 $0x10600  }
0x1ae: {  	[tilespmem:s2], [sflag:$0x3] =	stream.indirect.gather @!p0 [hbm4b:s3+s6], $0x80, s1, s6, $0xb8;
	[tilespmem:$0x18800] =	vst v63  }
0x1af: {  	s14 =	simm.s32 $0x4;
	s2 =	simm.s32 @!p0 $0x11600;
	s3 =	rddreg [dreg:$0x4]  }
0x1b0: {  	[tilespmem:s2], [sflag:$0x3] =	stream.indirect.gather @!p0 [hbm4b:s3+s6], $0x80, s1, s6, $0xb8;
	[tilespmem:$0x18800] =	vst v63  }
0x1b1: {  	_ =	swait.ge [sflag:s14], $0x1000  }
0x1b2: {  	[sflag:s14] =	ssyncset.done $0x0  }
0x1b3: {  	[sflag:s14] =	ssyncadd.s32 $0xFFFFF000  }
0x1b4: {  	_ =	swait.ge [sflag:s14], $0x1000  }
0x1b5: {  	[sflag:s14] =	ssyncset.done $0x0  }
0x1b6: {  	[sflag:s14] =	ssyncadd.s32 $0xFFFFF000  }
0x1b7: {  	_ =	swait.ge [sflag:s14], $0x1000  }
0x1b8: {  	[sflag:s14] =	ssyncset.done $0x0  }
0x1b9: {  	[sflag:s14] =	ssyncadd.s32 $0xFFFFF000  }
0x1ba: {  	_ =	swait.ge [sflag:s14], $0x1000  }
0x1bb: {  	s3 =	simm.s32 $0x0;
	[sflag:s14] =	ssyncset.done $0x0  }
0x1bc: {  	v3 =	vadd.s32 s3, v1;
	[sflag:s14] =	ssyncadd.s32 $0xFFFFF000  }
0x1bd: {  	v3 =	vand.u32 $0x7F, v3;
	_ =	swait.ge [sflag:s14], $0x1000  }
0x1be: {  	v4 =	vor.u32 v2, v3;
	[sflag:s14] =	ssyncset.done $0x0  }
0x1bf: {  	[sflag:s14] =	ssyncadd.s32 $0xFFFFF000  }
0x1c0: {  	_ =	swait.ge [sflag:s14], $0x1000  }
0x1c1: {  	[sflag:s14] =	ssyncset.done $0x0  }
0x1c2: {  	[sflag:s14] =	ssyncadd.s32 $0xFFFFF000  }
0x1c3: {  	v3 =	vor.u32 v0, v3;
	v5 =	vld.idx.msk [tilespmem:v4+s31+$0x0], $0xffff  }
0x1c4: {  	v6 =	vld.idx.msk [tilespmem:v4+s11+$0x0], $0xffff  }
0x1c5: {  	v7 =	vld.idx.msk [tilespmem:v4+s8+$0x0], $0xffff  }
0x1c6: {  	v8 =	vld.idx.msk [tilespmem:v4+s24+$0x0], $0xffff  }
0x1c7: {  	s4 =	simm.s32 $0x1;
	v9 =	vld.idx.msk [tilespmem:v4+s13+$0x0], $0xffff  }
0x1c8: {  	v10 =	vadd.s32 s4, v1;
	v11 =	vld.idx.msk [tilespmem:v3+s11+$0x0], $0xffff  }
0x1c9: {  	v10 =	vand.u32 $0x7F, v10;
	v4 =	vld.idx.msk [tilespmem:v4+s12+$0x0], $0xffff  }
0x1ca: {  	v12 =	vor.u32 v2, v10;
	v13 =	vld.idx.msk [tilespmem:v3+s8+$0x0], $0xffff  }
0x1cb: {  	v14 =	vld.idx.msk [tilespmem:v3+s31+$0x0], $0xffff  }
0x1cc: {  	v15 =	vld.idx.msk [tilespmem:v3+s24+$0x0], $0xffff  }
0x1cd: {  	v16 =	vld.idx.msk [tilespmem:v3+s13+$0x0], $0xffff  }
0x1ce: {  	v3 =	vld.idx.msk [tilespmem:v3+s12+$0x0], $0xffff;
	v6 =	vadd.f32 v7, v6  }
0x1cf: {  	v17 =	vld.idx.msk [tilespmem:v12+s11+$0x0], $0xffff;
	v5 =	vsub.f32 v8, v5  }
0x1d0: {  	v21 =	vld.idx.msk [tilespmem:v12+s13+$0x0], $0xffff;
	v7 =	vor.u32 v0, v10;
	v8 =	vmul.f32 v9, v6  }
0x1d1: {  	v10 =	vld.idx.msk [tilespmem:v12+s31+$0x0], $0xffff;
	v4 =	vsub.f32 v4, v5  }
0x1d2: {  	s6 =	simm.s32 $0x2;
	v13 =	vadd.f32 v13, v11;
	v11 =	vsub.f32 v15, v14;
	v5 =	vld.idx.msk [tilespmem:v12+s8+$0x0], $0xffff;
	(erf) = vrcp.f32 v8  }
0x1d3: {  	v15 =	vadd.s32 s6, v1;
	v8 =	vld.idx.msk [tilespmem:v12+s24+$0x0], $0xffff;
	v4 =	vmul.f32 v4, v4  }
0x1d4: {  	v15 =	vand.u32 $0x7F, v15;
	v14 =	vmul.f32 v16, v13;
	v3 =	vsub.f32 v3, v11;
	v12 =	vld.idx.msk [tilespmem:v12+s12+$0x0], $0xffff  }
0x1d5: {  	v20 =	vor.u32 v2, v15;
	v18 =	vld.idx.msk [tilespmem:v7+s11+$0x0], $0xffff;
	v19 =	vadd.f32 v4, v6;
	v4 =	vadd.f32 v4, v9  }
0x1d6: {  	v3 =	vmul.f32 v3, v3;
	v22 =	vld.idx.msk [tilespmem:v7+s8+$0x0], $0xffff;
	(erf) = vrcp.f32 v14  }
0x1d7: {  	v23 =	vld.idx.msk [tilespmem:v7+s24+$0x0], $0xffff;
	v17 =	vadd.f32 v5, v17;
	v6 =	vmul.f32 v19, v6;
	v4 =	vmul.f32 v4, v9  }
0x1d8: {  	v14 =	vadd.f32 v3, v13;
	v3 =	vadd.f32 v3, v16;
	v5 =	vld.idx.msk [tilespmem:v7+s13+$0x0], $0xffff;
	v9 =	vor.u32 v0, v15  }
0x1d9: {  	v19 =	vld.idx.msk [tilespmem:v7+s31+$0x0], $0xffff;
	v15 =	vmul.f32 v21, v17;
	v4 =	vadd.f32 v4, v6;
	v6 =	vsub.f32 v8, v10  }
0x1da: {  	v11 =	vld.idx.msk [tilespmem:v20+s11+$0x0], $0xffff;
	v13 =	vmul.f32 v14, v13  }
0x1db: {  	v16 =	vmul.f32 v3, v16;
	v10 =	vld.idx.msk [tilespmem:v7+s12+$0x0], $0xffff;
	v12 =	vsub.f32 v12, v6;
	v8 =	vpop (erf);
	(erf) = vrcp.f32 v15  }
0x1dc: {  	s14 =	simm.s32 $0x3;
	v14 =	vld.idx.msk [tilespmem:v20+s8+$0x0], $0xffff;
	v6 =	vadd.f32 v22, v18  }
0x1dd: {  	v63 =	vadd.s32 s14, v1;
	v16 =	vadd.f32 v16, v13;
	v13 =	vld.idx.msk [tilespmem:v9+s11+$0x0], $0xffff;
	v18 =	vmul.f32 v12, v12  }
0x1de: {  	v15 =	vsub.f32 v23, v19;
	v4 =	vmul.f32 v4, v8;
	v8 =	vld.idx.msk [tilespmem:v20+s31+$0x0], $0xffff;
	v22 =	vmul.f32 v5, v6  }
0x1df: {  	v7 =	vimm.f32 $0.0e+00;
	v12 =	vld.idx.msk [tilespmem:v20+s24+$0x0], $0xffff;
	v23 =	vadd.f32 v18, v17;
	v62 =	vadd.f32 v18, v21  }
0x1e0: {  	v19 =	vsub.f32 v10, v15;
	v3 =	vadd.f32 v4, v7;
	v4 =	vld.idx.msk [tilespmem:v20+s13+$0x0], $0xffff;
	(erf) = vrcp.f32 v22  }
0x1e1: {  	v10 =	vand.u32 $0x7F, v63;
	v15 =	vld.idx.msk [tilespmem:v20+s12+$0x0], $0xffff;
	v18 =	vpop (erf);
	v20 =	vmul.f32 v23, v17;
	v21 =	vmul.f32 v62, v21  }
0x1e2: {  	s1 =	simm.s32 $0x4;
	v17 =	vld.idx.msk [tilespmem:v9+s8+$0x0], $0xffff;
	v18 =	vmul.f32 v16, v18;
	v16 =	vor.u32 v0, v10;
	v10 =	vor.u32 v2, v10  }
.LBB2_9:
0x1e3: {  	p0 =	sne.s32 s1, $0x7F;
	v22 =	vld.idx.msk [tilespmem:v9+s31+$0x0], $0xffff;
	v23 =	vadd.f32 v14, v11;
	v11 =	vmul.f32 v19, v19;
	v14 =	vadd.f32 v21, v20  }
0x1e4: {  	v7 =	vadd.f32 v18, v7;
	v19 =	vld.idx.msk [tilespmem:v9+s24+$0x0], $0xffff;
	v20 =	vpop (erf)  }
0x1e5: {  	v12 =	vsub.f32 v12, v8;
	v21 =	vld.idx.msk [tilespmem:v9+s13+$0x0], $0xffff;
	v18 =	vmul.f32 v4, v23;
	v14 =	vmul.f32 v14, v20  }
0x1e6: {  	v26 =	vmovc v4;
	v24 =	vadd.f32 v11, v6;
	v25 =	vadd.f32 v11, v5;
	v20 =	vld.idx.msk [tilespmem:v9+s12+$0x0], $0xffff;
	v9 =	vmov v16  }
0x1e7: {  	v4 =	vsub.f32 v15, v12;
	v8 =	vld.idx.msk [tilespmem:v10+s31+$0x0], $0xffff;
	(erf) = vrcp.f32 v18;
	v3 =	vadd.f32 v14, v3  }
0x1e8: {  	v18 =	vmul.f32 v24, v6;
	v6 =	vadd.f32 v17, v13;
	v5 =	vmul.f32 v25, v5;
	v11 =	vld.idx.msk [tilespmem:v10+s11+$0x0], $0xffff  }
0x1e9: {  	v13 =	vmul.f32 v4, v4;
	v14 =	vld.idx.msk [tilespmem:v10+s8+$0x0], $0xffff  }
.Ltmp3:
0x1ea: {  	v16 =	vsub.f32 v19, v22;
	v27 =	vadd.f32 v5, v18;
	v12 =	vld.idx.msk [tilespmem:v10+s24+$0x0], $0xffff;
	(pc) =	sbr.rel @p0 .LBB2_9-.Ltmp3, $4  }
0x1eb: {  	v22 =	vmul.f32 v21, v6;
	v17 =	vadd.f32 v13, v23;
	v24 =	vadd.f32 v13, v26;
	v4 =	vld.idx.msk [tilespmem:v10+s13+$0x0], $0xffff;
	v15 =	vpop (erf)  }
0x1ec: {  	v25 =	vadd.s32 s1, v1;
	v19 =	vsub.f32 v20, v16;
	v5 =	vmovc v21;
	v13 =	vld.idx.msk [tilespmem:v9+s11+$0x0], $0xffff;
	v18 =	vmul.f32 v27, v15  }
0x1ed: {  	v25 =	vand.u32 $0x7F, v25;
	v20 =	vmul.f32 v17, v23;
	v21 =	vmul.f32 v24, v26;
	v15 =	vld.idx.msk [tilespmem:v10+s12+$0x0], $0xffff  }
0x1ee: {  	s1 =	sadd.s32 $0x1, s1;
	v16 =	vor.u32 v0, v25;
	v10 =	vor.u32 v2, v25;
	v17 =	vld.idx.msk [tilespmem:v9+s8+$0x0], $0xffff;
	(erf) = vrcp.f32 v22  }
0x1ef: {  	_ =	sdelay $0x3  }
0x1f0: {  	v22 =	vld.idx.msk [tilespmem:v9+s31+$0x0], $0xffff  }
0x1f1: {  	v23 =	vld.idx.msk [tilespmem:v9+s24+$0x0], $0xffff  }
0x1f2: {  	v24 =	vld.idx.msk [tilespmem:v9+s13+$0x0], $0xffff  }
0x1f3: {  	v63 =	vld.idx.msk [tilespmem:v9+s12+$0x0], $0xffff  }
0x1f4: {  	v25 =	vld.idx.msk [tilespmem:v10+s31+$0x0], $0xffff  }
0x1f5: {  	v26 =	vld.idx.msk [tilespmem:v10+s11+$0x0], $0xffff  }
0x1f6: {  	v27 =	vld.idx.msk [tilespmem:v10+s8+$0x0], $0xffff  }
0x1f7: {  	v28 =	vld.idx.msk [tilespmem:v10+s13+$0x0], $0xffff  }
0x1f8: {  	v29 =	vld.idx.msk [tilespmem:v16+s11+$0x0], $0xffff  }
0x1f9: {  	v34 =	vld.idx.msk [tilespmem:v16+s8+$0x0], $0xffff  }
0x1fa: {  	v19 =	vmul.f32 v19, v19;
	v11 =	vadd.f32 v14, v11;
	v33 =	vadd.f32 v21, v20;
	v36 =	vld.idx.msk [tilespmem:v16+s31+$0x0], $0xffff  }
0x1fb: {  	v7 =	vadd.f32 v18, v7;
	v8 =	vsub.f32 v12, v8;
	v38 =	vld.idx.msk [tilespmem:v16+s24+$0x0], $0xffff  }
0x1fc: {  	v41 =	vld.idx.msk [tilespmem:v10+s24+$0x0], $0xffff;
	v30 =	vpop (erf);
	v35 =	vadd.f32 v19, v6;
	v37 =	vadd.f32 v19, v5  }
0x1fd: {  	v39 =	vld.idx.msk [tilespmem:v16+s13+$0x0], $0xffff;
	v14 =	vmul.f32 v33, v30;
	v40 =	vmul.f32 v4, v11;
	v8 =	vsub.f32 v15, v8  }
0x1fe: {  	v45 =	vld.idx.msk [tilespmem:v16+s12+$0x0], $0xffff;
	v13 =	vadd.f32 v17, v13;
	v6 =	vmul.f32 v35, v6;
	v5 =	vmul.f32 v37, v5  }
0x1ff: {  	v47 =	vld.idx.msk [tilespmem:v10+s12+$0x0], $0xffff;
	(erf) = vrcp.f32 v40;
	v42 =	vsub.f32 v23, v22;
	v43 =	vadd.f32 v27, v26  }
0x200: {  	v46 =	vadd.f32 v34, v29;
	v8 =	vmul.f32 v8, v8;
	v49 =	vsub.f32 v38, v36  }
0x201: {  	v12 =	vsub.f32 v41, v25;
	v44 =	vmul.f32 v24, v13;
	v5 =	vadd.f32 v5, v6  }
0x202: {  	v9 =	vsub.f32 v63, v42;
	v48 =	vmul.f32 v28, v43;
	v50 =	vmul.f32 v39, v46  }
0x203: {  	v51 =	vadd.f32 v8, v11;
	v16 =	vsub.f32 v45, v49;
	(erf) = vrcp.f32 v44  }
0x204: {  	v10 =	vsub.f32 v47, v12;
	v9 =	vmul.f32 v9, v9;
	(erf) = vrcp.f32 v48  }
0x205: {  	v8 =	vadd.f32 v8, v4;
	v52 =	vpop (erf);
	v54 =	vmul.f32 v16, v16;
	(erf) = vrcp.f32 v50  }
0x206: {  	v5 =	vmul.f32 v5, v52;
	v10 =	vmul.f32 v10, v10;
	v53 =	vadd.f32 v9, v13  }
0x207: {  	v11 =	vmul.f32 v51, v11;
	v9 =	vadd.f32 v9, v24;
	v55 =	vadd.f32 v54, v46  }
0x208: {  	v4 =	vmul.f32 v8, v4;
	v56 =	vadd.f32 v10, v43;
	v10 =	vadd.f32 v10, v28  }
0x209: {  	v12 =	vadd.f32 v54, v39;
	v13 =	vmul.f32 v53, v13;
	v9 =	vmul.f32 v9, v24  }
0x20a: {  	v4 =	vadd.f32 v4, v11;
	v8 =	vmul.f32 v56, v43;
	v10 =	vmul.f32 v10, v28  }
0x20b: {  	v57 =	vpop (erf);
	v6 =	vmul.f32 v55, v46;
	v12 =	vmul.f32 v12, v39;
	v9 =	vadd.f32 v9, v13  }
0x20c: {  	v3 =	vadd.f32 v14, v3;
	v4 =	vmul.f32 v4, v57;
	v8 =	vadd.f32 v10, v8;
	v58 =	vpop (erf)  }
0x20d: {  	v5 =	vadd.f32 v5, v7;
	v6 =	vadd.f32 v12, v6;
	v59 =	vmul.f32 v9, v58;
	v60 =	vpop (erf)  }
0x20e: {  	v3 =	vadd.f32 v4, v3;
	v61 =	vpop (erf);
	v62 =	vmul.f32 v8, v60  }
0x20f: {  	v5 =	vadd.f32 v59, v5;
	v6 =	vmul.f32 v6, v61  }
0x210: {  	v3 =	vadd.f32 v62, v3  }
0x211: {  	s15 =	sadd.s32 $0x1, s15;
	v5 =	vadd.f32 v6, v5  }
0x212: {  	p0 =	sne.s32 s15, $0x4;
	v3 =	vadd.f32 $-2.560000000e+02, v3  }
.Ltmp4:
0x213: {  	v63 =	vadd.f32 $-2.560000000e+02, v5;
	(pc) =	sbr.rel @p0 .LBB2_2-.Ltmp4, $4  }
0x214: {  	v3 =	vmul.f32 $2.500000000e-01, v3  }
0x215: {  	s1 =	rddreg [dreg:$0xd];
	v4 =	vmul.f32 $2.500000000e-01, v63  }
0x216: {  	[tilespmem:s1+$0x18610] =	vst v3  }
0x217: {  	[tilespmem:s1+$0x18600] =	vst v4  }
0x218: {  	s6 =	simm.s32 $0x0  }
0x219: {  	s1 =	rddreg [dreg:$0xa];
	s2 =	simm.s32 $0x18600;
	s14 =	simm.s32 $0x6  }
0x21a: {  	[hbm4b:s1+s6] =	stream.linear.scatter [tilespmem:s2], [sflag:$0x6], $0x200, $0x38;
	[tilespmem:$0x18800] =	vst v63  }
0x21b: {  	_ =	swait.ge [sflag:s14], $0x200  }
0x21c: {  	s3 =	rddreg [dreg:$0xc]  }
0x21d: {  	s15 =	rddreg [dreg:$0xb];
	s3 =	sadd.s32 $0x1, s3  }
0x21e: {  	p0 =	sne.s32 s3, s15  }
.Ltmp5:
0x21f: {  	_ = 	snop;
	(pc) =	sbr.rel @p0 .LBB2_1-.Ltmp5, $3  }
0x220: {  	_ =	sdelay $0x1  }
0x221: {  	[sflag:s14] =	ssyncset.done $0x0  }
0x222: {  	[sflag:s14] =	ssyncadd.s32 $0xFFFFFE00  }
0x223: {  	_ =	sfence.sel $0x180000  }
0x224: {  	[bflag:$0x0] =	sbarrier.arrive $0xFFFF  }
0x225: {  	_ =	strace $0x90000047  }
0x226: {  	s0 =	stileid.u32;
	[bflag:$0x2] =	sbarrier.arrive $0xFFFF  }
0x227: {  	p0 =	sne.s32 s0, $0x0;
	s0 =	rddreg [dreg:$0x6]  }
0x228: {  	s0 =	sadd.s32 @!p0 $0x100000, s0  }
0x229: {  	[sflag:s0] =	ssyncadd.tile.s32 @!p0 $0x1;
	_ =	shalt  }
.Lfunc_end2:
_tile_overlayer_lowered:
.L_overlay_start_2:
0x22a: {  	(tag) =	ssettag $0x2  }
0x22b: {  	s0 =	rddreg [dreg:$0x0];
	s2 =	stileid.u32  }
0x22c: {  	s1 =	rddreg [dreg:$0x1];
	p0 =	sne.s32 s2, $0x0  }
0x22d: {  	s3 =	rddreg [dreg:$0x2];
	[bflag:$0x3] =	sbarrier.arrive $0xFFFF;
	s2 =	simm.s32 @!p0 $0x1C06  }
0x22e: {  	[timem:s3], [sflag:s2] =	dma.local @!p0 [hbm:s0], s1  }
0x22f: {  	s0 =	simm.s32 @!p0 $0x6  }
0x230: {  	_ =	swait.ge @!p0 [sflag:s0], s1  }
0x231: {  	s1 =	ssub.s32 @!p0 $0x0, s1;
	[sflag:s0] =	ssyncset.done @!p0 $0x0  }
0x232: {  	[sflag:s0] =	ssyncadd.s32 @!p0 s1  }
0x233: {  	[bflag:$0x3] =	sbarrier.arrive $0xFFFF  }
0x234: {  	_ =	shalt  }

</sc_bundles>
